<compile_context>
chip_gen: v7x
topology: tpu7x:2x2x1
jax: 0.10.2.dev20260603
libtpu: 0.0.44.dev20260713+nightly
codegen_flags: <defaults>
</compile_context>

<pallas_src>
import functools

import jax
import jax.numpy as jnp
from jax import lax
from jax.experimental import pallas as pl
from jax.experimental.pallas import tpu as pltpu
from jax.experimental.pallas import tpu_sc as plsc

M = 8192
K = 8192
D = 256
TM = 2048
TK = 2048

NC = 2
NS = 16
NW = NC * NS


def _argmin_body(zsq_ref, wsq_ref, z_ref, w_ref, out_ref):
    zm2 = z_ref[...] * -2.0
    zsq = zsq_ref[...]
    av = jnp.full((TM, 128), jnp.inf, jnp.float32)
    ag = jnp.zeros((TM, 128), jnp.int32)

    for j in range(K // TK):
        dot2 = lax.dot_general(zm2, w_ref[j * TK:(j + 1) * TK, :],
                               (((1,), (1,)), ((), ())),
                               preferred_element_type=jnp.float32)
        for g in range(TK // 128):
            dg = (zsq + wsq_ref[:, j * TK + g * 128:j * TK + (g + 1) * 128]) \
                + dot2[:, g * 128:(g + 1) * 128]
            better = dg < av
            av = jnp.where(better, dg, av)
            ag = jnp.where(better, j * (TK // 128) + g, ag)

    gidx = ag * 128 + lax.broadcasted_iota(jnp.int32, (TM, 128), 1)
    rowmin = jnp.min(av, axis=1, keepdims=True)
    cand = jnp.where(av == rowmin, gidx, K)
    out_ref[...] = jnp.min(cand, axis=1, keepdims=True)


_argmin_call = pl.pallas_call(
    _argmin_body,
    grid=(M // TM,),
    in_specs=[
        pl.BlockSpec((TM, 1), lambda i: (i, 0)),
        pl.BlockSpec((1, K), lambda i: (0, 0)),
        pl.BlockSpec((TM, D), lambda i: (i, 0)),
        pl.BlockSpec((K, D), lambda i: (0, 0)),
    ],
    out_specs=pl.BlockSpec((TM, 1), lambda i: (i, 0)),
    out_shape=jax.ShapeDtypeStruct((M, 1), jnp.int32),
)


@functools.cache
def _make_gather(b):
    b_per_w = b // NW
    mesh = plsc.VectorSubcoreMesh(core_axis_name="c", subcore_axis_name="s")

    @functools.partial(
        pl.kernel,
        mesh=mesh,
        out_type=jax.ShapeDtypeStruct((b, D), jnp.float32),
        scratch_types=[
            pltpu.VMEM((b_per_w,), jnp.int32),
            pltpu.VMEM((b_per_w, D), jnp.float32),
            pltpu.SemaphoreType.DMA,
        ],
    )
    def gather_k(table_hbm, idx_hbm, out_hbm, idx_v, rows_v, sem):
        wid = lax.axis_index("s") * NC + lax.axis_index("c")
        base = wid * b_per_w
        pltpu.sync_copy(idx_hbm.at[pl.ds(base, b_per_w)], idx_v)
        pltpu.async_copy(table_hbm.at[idx_v], rows_v, sem).wait()
        pltpu.sync_copy(rows_v, out_hbm.at[pl.ds(base, b_per_w)])

    return gather_k


def kernel(z, weight):
    B, C, H, W = z.shape
    zt = jnp.transpose(z, (0, 2, 3, 1))
    z_flat = zt.reshape(-1, C)
    zsq = jnp.sum(z_flat ** 2, axis=1, keepdims=True)
    wsq = jnp.sum(weight ** 2, axis=1)[None, :]

    idx = _argmin_call(zsq, wsq, z_flat, weight).reshape(-1)
    z_q = _make_gather(M)(weight, idx)

    z_out = zt.reshape(B, H * W, C)
    return (z_out, z_q.reshape(B, H * W, C), idx.reshape(B, H * W))

# --- scband reference (transcript-rebuilt; emitter-appended) ---
"""Pipeline reference for scband-emavector-quantizer-19421842112871 (READ-ONLY COPY).

The authoritative reference and input builder live on the scoring server;
editing this copy changes nothing except your own understanding.
"""

import jax, jax.numpy as jnp
import numpy as np

NUM_TOKENS = 8192
CODEBOOK_DIM = 256

def setup_inputs(seed: int = 0) -> dict:
    key = jax.random.key(seed)
    k1, k2 = jax.random.split(key)
    z = jax.random.normal(k1, (8, 256, 32, 32), dtype=jnp.float32)
    weight = jax.random.normal(k2, (NUM_TOKENS, CODEBOOK_DIM), dtype=jnp.float32)
    return {"z": z, "weight": weight}

def reference(z, weight):
    # b c h w -> b h w c
    zt = jnp.transpose(z, (0, 2, 3, 1))
    B, H, W, C = zt.shape
    z_flat = zt.reshape(-1, C)
    # squared euclidean distances to codebook
    d = (jnp.sum(z_flat ** 2, axis=1, keepdims=True)
         + jnp.sum(weight ** 2, axis=1)
         - 2.0 * jnp.einsum('bd,nd->bn', z_flat, weight))
    encoding_indices = jnp.argmin(d, axis=1)
    z_q = jax.lax.stop_gradient(jnp.take(weight, encoding_indices, axis=0).reshape(zt.shape))
    z_q = z_q.reshape(B, H * W, C)
    z_out = zt.reshape(B, H * W, C)
    encoding_indices = encoding_indices.reshape(B, H * W)
    return (z_out, z_q, encoding_indices)

if __name__ == "__main__":
    import jax
    _d = setup_inputs()
    print(jax.jit(kernel)(*tuple(_d.values())))

</pallas_src>

<mosaic_0001>
#map = affine_map<(d0, d1) -> (0, 0)>
#map1 = affine_map<(d0, d1) -> (0)>
module attributes {stable_mosaic.version = 14 : i64} {
  func.func @gather_k(%arg0: i32, %arg1: i32, %arg2: memref<8192x256xf32, #tpu.memory_space<hbm>>, %arg3: memref<8192xi32, #tpu.memory_space<hbm>>, %arg4: memref<8192x256xf32, #tpu.memory_space<hbm>>, %arg5: memref<256xi32, #tpu.memory_space<vmem>>, %arg6: memref<256x256xf32, #tpu.memory_space<vmem>>, %arg7: memref<!tpu.dma_semaphore, #tpu.memory_space<semaphore_mem>>) attributes {dimension_semantics = [#tpu.dimension_semantics<core_parallel>, #tpu.dimension_semantics<subcore_parallel>], iteration_bounds = array<i64: 2, 16>, scalar_prefetch = 0 : i64, scratch_operands = 3 : i64, tpu.core_type = #tpu.core_type<sc_vector_subcore>, window_params = [{transform_indices = #map}, {transform_indices = #map1}, {transform_indices = #map}]} {
    %mul3A = arith.constant 2 : i32
    %mul3A_0 = arith.muli %arg1, %mul3A : i32
    %add3A = arith.addi %mul3A_0, %arg0 : i32
    %mul3A_1 = arith.constant 256 : i32
    %mul3A_2 = arith.muli %add3A, %mul3A_1 : i32
    "tpu.region"() ({
      %run_scoped3A = tpu.sem_alloc : memref<!tpu.dma_semaphore, #tpu.memory_space<semaphore_mem>>
      %dma_start3A_7 = tpu.memref_slice %arg3[%mul3A_2] : memref<8192xi32, #tpu.memory_space<hbm>> -> memref<256xi32, #tpu.memory_space<hbm>>
      %dma_start3A_8 = tpu.memref_slice %arg3[%mul3A_2] : memref<8192xi32, #tpu.memory_space<hbm>> -> memref<256xi32, #tpu.memory_space<hbm>>
      tpu.enqueue_dma source(%dma_start3A_8 : memref<256xi32, #tpu.memory_space<hbm>>) target(%arg5 : memref<256xi32, #tpu.memory_space<vmem>>) target_semaphore(%run_scoped3A : memref<!tpu.dma_semaphore, #tpu.memory_space<semaphore_mem>>)
      %dma_wait3A_9 = tpu.memref_slice %arg3[%mul3A_2] : memref<8192xi32, #tpu.memory_space<hbm>> -> memref<256xi32, #tpu.memory_space<hbm>>
      %dma_wait3A_10 = tpu.memref_slice %arg3[%mul3A_2] : memref<8192xi32, #tpu.memory_space<hbm>> -> memref<256xi32, #tpu.memory_space<hbm>>
      tpu.wait_dma2 semaphore(%run_scoped3A : memref<!tpu.dma_semaphore, #tpu.memory_space<semaphore_mem>>) src(%dma_wait3A_10 : memref<256xi32, #tpu.memory_space<hbm>>) dst(%arg5 : memref<256xi32, #tpu.memory_space<vmem>>)
      tpu.yield
    }) : () -> ()
    %dma_start3A = arith.constant 0 : i32
    %dma_start3A_3 = arith.constant 0 : i32
    %dma_start3A_4 = tpu.memref_slice %arg2[%dma_start3A, %dma_start3A_3] : memref<8192x256xf32, #tpu.memory_space<hbm>> -> memref<8192x256xf32, #tpu.memory_space<hbm>>
    tpu.enqueue_indirect_dma source(%dma_start3A_4 : memref<8192x256xf32, #tpu.memory_space<hbm>>) target(%arg6 : memref<256x256xf32, #tpu.memory_space<vmem>>) offsets(%arg5 : memref<256xi32, #tpu.memory_space<vmem>>) semaphore(%arg7 : memref<!tpu.dma_semaphore, #tpu.memory_space<semaphore_mem>>)
    %dma_wait3A = arith.constant 0 : i32
    %dma_wait3A_5 = arith.constant 0 : i32
    %dma_wait3A_6 = tpu.memref_slice %arg2[%dma_wait3A, %dma_wait3A_5] : memref<8192x256xf32, #tpu.memory_space<hbm>> -> memref<8192x256xf32, #tpu.memory_space<hbm>>
    tpu.wait_indirect_dma semaphore(%arg7 : memref<!tpu.dma_semaphore, #tpu.memory_space<semaphore_mem>>) src(%dma_wait3A_6 : memref<8192x256xf32, #tpu.memory_space<hbm>>) dst(%arg6 : memref<256x256xf32, #tpu.memory_space<vmem>>)
    "tpu.region"() ({
      %run_scoped3A = tpu.sem_alloc : memref<!tpu.dma_semaphore, #tpu.memory_space<semaphore_mem>>
      %dma_start3A_7 = arith.constant 0 : i32
      %dma_start3A_8 = tpu.memref_slice %arg4[%mul3A_2, %dma_start3A_7] : memref<8192x256xf32, #tpu.memory_space<hbm>> -> memref<256x256xf32, #tpu.memory_space<hbm>>
      %dma_start3A_9 = arith.constant 0 : i32
      %dma_start3A_10 = tpu.memref_slice %arg4[%mul3A_2, %dma_start3A_9] : memref<8192x256xf32, #tpu.memory_space<hbm>> -> memref<256x256xf32, #tpu.memory_space<hbm>>
      tpu.enqueue_dma source(%arg6 : memref<256x256xf32, #tpu.memory_space<vmem>>) target(%dma_start3A_10 : memref<256x256xf32, #tpu.memory_space<hbm>>) target_semaphore(%run_scoped3A : memref<!tpu.dma_semaphore, #tpu.memory_space<semaphore_mem>>)
      %dma_wait3A_11 = arith.constant 0 : i32
      %dma_wait3A_12 = tpu.memref_slice %arg4[%mul3A_2, %dma_wait3A_11] : memref<8192x256xf32, #tpu.memory_space<hbm>> -> memref<256x256xf32, #tpu.memory_space<hbm>>
      %dma_wait3A_13 = arith.constant 0 : i32
      %dma_wait3A_14 = tpu.memref_slice %arg4[%mul3A_2, %dma_wait3A_13] : memref<8192x256xf32, #tpu.memory_space<hbm>> -> memref<256x256xf32, #tpu.memory_space<hbm>>
      tpu.wait_dma2 semaphore(%run_scoped3A : memref<!tpu.dma_semaphore, #tpu.memory_space<semaphore_mem>>) src(%arg6 : memref<256x256xf32, #tpu.memory_space<vmem>>) dst(%dma_wait3A_14 : memref<256x256xf32, #tpu.memory_space<hbm>>)
      tpu.yield
    }) : () -> ()
    return
  }
}

module attributes {stable_mosaic.version = 14 : i64} {
  func.func @_argmin_body(%arg0: i32, %arg1: memref<2048x1xf32, #tpu.memory_space<vmem>>, %arg2: memref<1x8192xf32, #tpu.memory_space<vmem>>, %arg3: memref<2048x256xf32, #tpu.memory_space<vmem>>, %arg4: memref<8192x256xf32, #tpu.memory_space<vmem>>, %arg5: memref<2048x1xi32, #tpu.memory_space<vmem>>) attributes {dimension_semantics = [#tpu.dimension_semantics<arbitrary>], iteration_bounds = array<i64: 4>, scalar_prefetch = 0 : i64, scratch_operands = 0 : i64, tpu.core_type = #tpu.core_type<tc>, window_params = [{transform_indices = @transform_0, window_bounds = array<i64: 2048, 1>}, {pipeline_mode = #tpu.pipeline_mode<synchronous>, transform_indices = @transform_1, window_bounds = array<i64: 1, 8192>}, {transform_indices = @transform_2, window_bounds = array<i64: 2048, 256>}, {pipeline_mode = #tpu.pipeline_mode<synchronous>, transform_indices = @transform_3, window_bounds = array<i64: 8192, 256>}, {transform_indices = @transform_4, window_bounds = array<i64: 2048, 1>}]} {
    %get3A = arith.constant 0 : index
    %get3A_0 = arith.constant 0 : index
    %get3A_1 = vector.load %arg3[%get3A, %get3A_0] : memref<2048x256xf32, #tpu.memory_space<vmem>>, vector<2048x256xf32>
    %mul3A = arith.constant -2.000000e+00 : f32
    %mul3A_2 = vector.broadcast %mul3A : f32 to vector<2048x256xf32>
    %mul3A_3 = arith.mulf %get3A_1, %mul3A_2 : vector<2048x256xf32>
    %get3A_4 = arith.constant 0 : index
    %get3A_5 = arith.constant 0 : index
    %get3A_6 = vector.load %arg1[%get3A_4, %get3A_5] : memref<2048x1xf32, #tpu.memory_space<vmem>>, vector<2048x1xf32>
    %broadcast_in_dim3A = arith.constant 0x7F800000 : f32
    %broadcast_in_dim3A_7 = vector.broadcast %broadcast_in_dim3A : f32 to vector<2048x128xf32>
    %broadcast_in_dim3A_8 = arith.constant 0 : i32
    %broadcast_in_dim3A_9 = vector.broadcast %broadcast_in_dim3A_8 : i32 to vector<2048x128xi32>
    %get3A_10 = arith.constant 0 : index
    %get3A_11 = arith.constant 0 : index
    %get3A_12 = vector.load %arg4[%get3A_10, %get3A_11] : memref<8192x256xf32, #tpu.memory_space<vmem>>, vector<2048x256xf32>
    %dot_general3A = arith.constant dense<0.000000e+00> : vector<2048x2048xf32>
    %dot_general3A_13 = tpu.matmul %mul3A_3, %get3A_12, %dot_general3A {dimension_numbers = #tpu.dot_dimension_numbers<[1], [1], [0], [0], [0, 0, 1, 0], [], []>, transpose_lhs_hint = false} : vector<2048x256xf32>, vector<2048x256xf32>, vector<2048x2048xf32> -> vector<2048x2048xf32>
    %get3A_14 = arith.constant 0 : index
    %get3A_15 = arith.constant 0 : index
    %get3A_16 = vector.load %arg2[%get3A_14, %get3A_15] : memref<1x8192xf32, #tpu.memory_space<vmem>>, vector<1x128xf32>
    %add3A = vector.broadcast %get3A_6 : vector<2048x1xf32> to vector<2048x128xf32>
    %add3A_17 = vector.broadcast %get3A_16 : vector<1x128xf32> to vector<2048x128xf32>
    %add3A_18 = arith.addf %add3A, %add3A_17 : vector<2048x128xf32>
    %slice3A = vector.extract_strided_slice %dot_general3A_13 {offsets = [0, 0], sizes = [2048, 128], strides = [1, 1]} : vector<2048x2048xf32> to vector<2048x128xf32>
    %add3A_19 = arith.addf %add3A_18, %slice3A : vector<2048x128xf32>
    %lt3A = arith.cmpf olt, %add3A_19, %broadcast_in_dim3A_7 : vector<2048x128xf32>
    %select_n3A = arith.select %lt3A, %add3A_19, %broadcast_in_dim3A_7 : vector<2048x128xi1>, vector<2048x128xf32>
    %jit3A = arith.constant 0 : i32
    %broadcast_in_dim3A_20 = vector.broadcast %jit3A : i32 to vector<2048x128xi32>
    %select_n3A_21 = arith.select %lt3A, %broadcast_in_dim3A_20, %broadcast_in_dim3A_9 : vector<2048x128xi1>, vector<2048x128xi32>
    %get3A_22 = arith.constant 0 : index
    %get3A_23 = arith.constant 128 : index
    %get3A_24 = vector.load %arg2[%get3A_22, %get3A_23] : memref<1x8192xf32, #tpu.memory_space<vmem>>, vector<1x128xf32>
    %add3A_25 = vector.broadcast %get3A_6 : vector<2048x1xf32> to vector<2048x128xf32>
    %add3A_26 = vector.broadcast %get3A_24 : vector<1x128xf32> to vector<2048x128xf32>
    %add3A_27 = arith.addf %add3A_25, %add3A_26 : vector<2048x128xf32>
    %slice3A_28 = vector.extract_strided_slice %dot_general3A_13 {offsets = [0, 128], sizes = [2048, 128], strides = [1, 1]} : vector<2048x2048xf32> to vector<2048x128xf32>
    %add3A_29 = arith.addf %add3A_27, %slice3A_28 : vector<2048x128xf32>
    %lt3A_30 = arith.cmpf olt, %add3A_29, %select_n3A : vector<2048x128xf32>
    %select_n3A_31 = arith.select %lt3A_30, %add3A_29, %select_n3A : vector<2048x128xi1>, vector<2048x128xf32>
    %jit3A_32 = arith.constant 1 : i32
    %broadcast_in_dim3A_33 = vector.broadcast %jit3A_32 : i32 to vector<2048x128xi32>
    %select_n3A_34 = arith.select %lt3A_30, %broadcast_in_dim3A_33, %select_n3A_21 : vector<2048x128xi1>, vector<2048x128xi32>
    %get3A_35 = arith.constant 0 : index
    %get3A_36 = arith.constant 256 : index
    %get3A_37 = vector.load %arg2[%get3A_35, %get3A_36] : memref<1x8192xf32, #tpu.memory_space<vmem>>, vector<1x128xf32>
    %add3A_38 = vector.broadcast %get3A_6 : vector<2048x1xf32> to vector<2048x128xf32>
    %add3A_39 = vector.broadcast %get3A_37 : vector<1x128xf32> to vector<2048x128xf32>
    %add3A_40 = arith.addf %add3A_38, %add3A_39 : vector<2048x128xf32>
    %slice3A_41 = vector.extract_strided_slice %dot_general3A_13 {offsets = [0, 256], sizes = [2048, 128], strides = [1, 1]} : vector<2048x2048xf32> to vector<2048x128xf32>
    %add3A_42 = arith.addf %add3A_40, %slice3A_41 : vector<2048x128xf32>
    %lt3A_43 = arith.cmpf olt, %add3A_42, %select_n3A_31 : vector<2048x128xf32>
    %select_n3A_44 = arith.select %lt3A_43, %add3A_42, %select_n3A_31 : vector<2048x128xi1>, vector<2048x128xf32>
    %jit3A_45 = arith.constant 2 : i32
    %broadcast_in_dim3A_46 = vector.broadcast %jit3A_45 : i32 to vector<2048x128xi32>
    %select_n3A_47 = arith.select %lt3A_43, %broadcast_in_dim3A_46, %select_n3A_34 : vector<2048x128xi1>, vector<2048x128xi32>
    %get3A_48 = arith.constant 0 : index
    %get3A_49 = arith.constant 384 : index
    %get3A_50 = vector.load %arg2[%get3A_48, %get3A_49] : memref<1x8192xf32, #tpu.memory_space<vmem>>, vector<1x128xf32>
    %add3A_51 = vector.broadcast %get3A_6 : vector<2048x1xf32> to vector<2048x128xf32>
    %add3A_52 = vector.broadcast %get3A_50 : vector<1x128xf32> to vector<2048x128xf32>
    %add3A_53 = arith.addf %add3A_51, %add3A_52 : vector<2048x128xf32>
    %slice3A_54 = vector.extract_strided_slice %dot_general3A_13 {offsets = [0, 384], sizes = [2048, 128], strides = [1, 1]} : vector<2048x2048xf32> to vector<2048x128xf32>
    %add3A_55 = arith.addf %add3A_53, %slice3A_54 : vector<2048x128xf32>
    %lt3A_56 = arith.cmpf olt, %add3A_55, %select_n3A_44 : vector<2048x128xf32>
    %select_n3A_57 = arith.select %lt3A_56, %add3A_55, %select_n3A_44 : vector<2048x128xi1>, vector<2048x128xf32>
    %jit3A_58 = arith.constant 3 : i32
    %broadcast_in_dim3A_59 = vector.broadcast %jit3A_58 : i32 to vector<2048x128xi32>
    %select_n3A_60 = arith.select %lt3A_56, %broadcast_in_dim3A_59, %select_n3A_47 : vector<2048x128xi1>, vector<2048x128xi32>
    %get3A_61 = arith.constant 0 : index
    %get3A_62 = arith.constant 512 : index
    %get3A_63 = vector.load %arg2[%get3A_61, %get3A_62] : memref<1x8192xf32, #tpu.memory_space<vmem>>, vector<1x128xf32>
    %add3A_64 = vector.broadcast %get3A_6 : vector<2048x1xf32> to vector<2048x128xf32>
    %add3A_65 = vector.broadcast %get3A_63 : vector<1x128xf32> to vector<2048x128xf32>
    %add3A_66 = arith.addf %add3A_64, %add3A_65 : vector<2048x128xf32>
    %slice3A_67 = vector.extract_strided_slice %dot_general3A_13 {offsets = [0, 512], sizes = [2048, 128], strides = [1, 1]} : vector<2048x2048xf32> to vector<2048x128xf32>
    %add3A_68 = arith.addf %add3A_66, %slice3A_67 : vector<2048x128xf32>
    %lt3A_69 = arith.cmpf olt, %add3A_68, %select_n3A_57 : vector<2048x128xf32>
    %select_n3A_70 = arith.select %lt3A_69, %add3A_68, %select_n3A_57 : vector<2048x128xi1>, vector<2048x128xf32>
    %jit3A_71 = arith.constant 4 : i32
    %broadcast_in_dim3A_72 = vector.broadcast %jit3A_71 : i32 to vector<2048x128xi32>
    %select_n3A_73 = arith.select %lt3A_69, %broadcast_in_dim3A_72, %select_n3A_60 : vector<2048x128xi1>, vector<2048x128xi32>
    %get3A_74 = arith.constant 0 : index
    %get3A_75 = arith.constant 640 : index
    %get3A_76 = vector.load %arg2[%get3A_74, %get3A_75] : memref<1x8192xf32, #tpu.memory_space<vmem>>, vector<1x128xf32>
    %add3A_77 = vector.broadcast %get3A_6 : vector<2048x1xf32> to vector<2048x128xf32>
    %add3A_78 = vector.broadcast %get3A_76 : vector<1x128xf32> to vector<2048x128xf32>
    %add3A_79 = arith.addf %add3A_77, %add3A_78 : vector<2048x128xf32>
    %slice3A_80 = vector.extract_strided_slice %dot_general3A_13 {offsets = [0, 640], sizes = [2048, 128], strides = [1, 1]} : vector<2048x2048xf32> to vector<2048x128xf32>
    %add3A_81 = arith.addf %add3A_79, %slice3A_80 : vector<2048x128xf32>
    %lt3A_82 = arith.cmpf olt, %add3A_81, %select_n3A_70 : vector<2048x128xf32>
    %select_n3A_83 = arith.select %lt3A_82, %add3A_81, %select_n3A_70 : vector<2048x128xi1>, vector<2048x128xf32>
    %jit3A_84 = arith.constant 5 : i32
    %broadcast_in_dim3A_85 = vector.broadcast %jit3A_84 : i32 to vector<2048x128xi32>
    %select_n3A_86 = arith.select %lt3A_82, %broadcast_in_dim3A_85, %select_n3A_73 : vector<2048x128xi1>, vector<2048x128xi32>
    %get3A_87 = arith.constant 0 : index
    %get3A_88 = arith.constant 768 : index
    %get3A_89 = vector.load %arg2[%get3A_87, %get3A_88] : memref<1x8192xf32, #tpu.memory_space<vmem>>, vector<1x128xf32>
    %add3A_90 = vector.broadcast %get3A_6 : vector<2048x1xf32> to vector<2048x128xf32>
    %add3A_91 = vector.broadcast %get3A_89 : vector<1x128xf32> to vector<2048x128xf32>
    %add3A_92 = arith.addf %add3A_90, %add3A_91 : vector<2048x128xf32>
    %slice3A_93 = vector.extract_strided_slice %dot_general3A_13 {offsets = [0, 768], sizes = [2048, 128], strides = [1, 1]} : vector<2048x2048xf32> to vector<2048x128xf32>
    %add3A_94 = arith.addf %add3A_92, %slice3A_93 : vector<2048x128xf32>
    %lt3A_95 = arith.cmpf olt, %add3A_94, %select_n3A_83 : vector<2048x128xf32>
    %select_n3A_96 = arith.select %lt3A_95, %add3A_94, %select_n3A_83 : vector<2048x128xi1>, vector<2048x128xf32>
    %jit3A_97 = arith.constant 6 : i32
    %broadcast_in_dim3A_98 = vector.broadcast %jit3A_97 : i32 to vector<2048x128xi32>
    %select_n3A_99 = arith.select %lt3A_95, %broadcast_in_dim3A_98, %select_n3A_86 : vector<2048x128xi1>, vector<2048x128xi32>
    %get3A_100 = arith.constant 0 : index
    %get3A_101 = arith.constant 896 : index
    %get3A_102 = vector.load %arg2[%get3A_100, %get3A_101] : memref<1x8192xf32, #tpu.memory_space<vmem>>, vector<1x128xf32>
    %add3A_103 = vector.broadcast %get3A_6 : vector<2048x1xf32> to vector<2048x128xf32>
    %add3A_104 = vector.broadcast %get3A_102 : vector<1x128xf32> to vector<2048x128xf32>
    %add3A_105 = arith.addf %add3A_103, %add3A_104 : vector<2048x128xf32>
    %slice3A_106 = vector.extract_strided_slice %dot_general3A_13 {offsets = [0, 896], sizes = [2048, 128], strides = [1, 1]} : vector<2048x2048xf32> to vector<2048x128xf32>
    %add3A_107 = arith.addf %add3A_105, %slice3A_106 : vector<2048x128xf32>
    %lt3A_108 = arith.cmpf olt, %add3A_107, %select_n3A_96 : vector<2048x128xf32>
    %select_n3A_109 = arith.select %lt3A_108, %add3A_107, %select_n3A_96 : vector<2048x128xi1>, vector<2048x128xf32>
    %jit3A_110 = arith.constant 7 : i32
    %broadcast_in_dim3A_111 = vector.broadcast %jit3A_110 : i32 to vector<2048x128xi32>
    %select_n3A_112 = arith.select %lt3A_108, %broadcast_in_dim3A_111, %select_n3A_99 : vector<2048x128xi1>, vector<2048x128xi32>
    %get3A_113 = arith.constant 0 : index
    %get3A_114 = arith.constant 1024 : index
    %get3A_115 = vector.load %arg2[%get3A_113, %get3A_114] : memref<1x8192xf32, #tpu.memory_space<vmem>>, vector<1x128xf32>
    %add3A_116 = vector.broadcast %get3A_6 : vector<2048x1xf32> to vector<2048x128xf32>
    %add3A_117 = vector.broadcast %get3A_115 : vector<1x128xf32> to vector<2048x128xf32>
    %add3A_118 = arith.addf %add3A_116, %add3A_117 : vector<2048x128xf32>
    %slice3A_119 = vector.extract_strided_slice %dot_general3A_13 {offsets = [0, 1024], sizes = [2048, 128], strides = [1, 1]} : vector<2048x2048xf32> to vector<2048x128xf32>
    %add3A_120 = arith.addf %add3A_118, %slice3A_119 : vector<2048x128xf32>
    %lt3A_121 = arith.cmpf olt, %add3A_120, %select_n3A_109 : vector<2048x128xf32>
    %select_n3A_122 = arith.select %lt3A_121, %add3A_120, %select_n3A_109 : vector<2048x128xi1>, vector<2048x128xf32>
    %jit3A_123 = arith.constant 8 : i32
    %broadcast_in_dim3A_124 = vector.broadcast %jit3A_123 : i32 to vector<2048x128xi32>
    %select_n3A_125 = arith.select %lt3A_121, %broadcast_in_dim3A_124, %select_n3A_112 : vector<2048x128xi1>, vector<2048x128xi32>
    %get3A_126 = arith.constant 0 : index
    %get3A_127 = arith.constant 1152 : index
    %get3A_128 = vector.load %arg2[%get3A_126, %get3A_127] : memref<1x8192xf32, #tpu.memory_space<vmem>>, vector<1x128xf32>
    %add3A_129 = vector.broadcast %get3A_6 : vector<2048x1xf32> to vector<2048x128xf32>
    %add3A_130 = vector.broadcast %get3A_128 : vector<1x128xf32> to vector<2048x128xf32>
    %add3A_131 = arith.addf %add3A_129, %add3A_130 : vector<2048x128xf32>
    %slice3A_132 = vector.extract_strided_slice %dot_general3A_13 {offsets = [0, 1152], sizes = [2048, 128], strides = [1, 1]} : vector<2048x2048xf32> to vector<2048x128xf32>
    %add3A_133 = arith.addf %add3A_131, %slice3A_132 : vector<2048x128xf32>
    %lt3A_134 = arith.cmpf olt, %add3A_133, %select_n3A_122 : vector<2048x128xf32>
    %select_n3A_135 = arith.select %lt3A_134, %add3A_133, %select_n3A_122 : vector<2048x128xi1>, vector<2048x128xf32>
    %jit3A_136 = arith.constant 9 : i32
    %broadcast_in_dim3A_137 = vector.broadcast %jit3A_136 : i32 to vector<2048x128xi32>
    %select_n3A_138 = arith.select %lt3A_134, %broadcast_in_dim3A_137, %select_n3A_125 : vector<2048x128xi1>, vector<2048x128xi32>
    %get3A_139 = arith.constant 0 : index
    %get3A_140 = arith.constant 1280 : index
    %get3A_141 = vector.load %arg2[%get3A_139, %get3A_140] : memref<1x8192xf32, #tpu.memory_space<vmem>>, vector<1x128xf32>
    %add3A_142 = vector.broadcast %get3A_6 : vector<2048x1xf32> to vector<2048x128xf32>
    %add3A_143 = vector.broadcast %get3A_141 : vector<1x128xf32> to vector<2048x128xf32>
    %add3A_144 = arith.addf %add3A_142, %add3A_143 : vector<2048x128xf32>
    %slice3A_145 = vector.extract_strided_slice %dot_general3A_13 {offsets = [0, 1280], sizes = [2048, 128], strides = [1, 1]} : vector<2048x2048xf32> to vector<2048x128xf32>
    %add3A_146 = arith.addf %add3A_144, %slice3A_145 : vector<2048x128xf32>
    %lt3A_147 = arith.cmpf olt, %add3A_146, %select_n3A_135 : vector<2048x128xf32>
    %select_n3A_148 = arith.select %lt3A_147, %add3A_146, %select_n3A_135 : vector<2048x128xi1>, vector<2048x128xf32>
    %jit3A_149 = arith.constant 10 : i32
    %broadcast_in_dim3A_150 = vector.broadcast %jit3A_149 : i32 to vector<2048x128xi32>
    %select_n3A_151 = arith.select %lt3A_147, %broadcast_in_dim3A_150, %select_n3A_138 : vector<2048x128xi1>, vector<2048x128xi32>
    %get3A_152 = arith.constant 0 : index
    %get3A_153 = arith.constant 1408 : index
    %get3A_154 = vector.load %arg2[%get3A_152, %get3A_153] : memref<1x8192xf32, #tpu.memory_space<vmem>>, vector<1x128xf32>
    %add3A_155 = vector.broadcast %get3A_6 : vector<2048x1xf32> to vector<2048x128xf32>
    %add3A_156 = vector.broadcast %get3A_154 : vector<1x128xf32> to vector<2048x128xf32>
    %add3A_157 = arith.addf %add3A_155, %add3A_156 : vector<2048x128xf32>
    %slice3A_158 = vector.extract_strided_slice %dot_general3A_13 {offsets = [0, 1408], sizes = [2048, 128], strides = [1, 1]} : vector<2048x2048xf32> to vector<2048x128xf32>
    %add3A_159 = arith.addf %add3A_157, %slice3A_158 : vector<2048x128xf32>
    %lt3A_160 = arith.cmpf olt, %add3A_159, %select_n3A_148 : vector<2048x128xf32>
    %select_n3A_161 = arith.select %lt3A_160, %add3A_159, %select_n3A_148 : vector<2048x128xi1>, vector<2048x128xf32>
    %jit3A_162 = arith.constant 11 : i32
    %broadcast_in_dim3A_163 = vector.broadcast %jit3A_162 : i32 to vector<2048x128xi32>
    %select_n3A_164 = arith.select %lt3A_160, %broadcast_in_dim3A_163, %select_n3A_151 : vector<2048x128xi1>, vector<2048x128xi32>
    %get3A_165 = arith.constant 0 : index
    %get3A_166 = arith.constant 1536 : index
    %get3A_167 = vector.load %arg2[%get3A_165, %get3A_166] : memref<1x8192xf32, #tpu.memory_space<vmem>>, vector<1x128xf32>
    %add3A_168 = vector.broadcast %get3A_6 : vector<2048x1xf32> to vector<2048x128xf32>
    %add3A_169 = vector.broadcast %get3A_167 : vector<1x128xf32> to vector<2048x128xf32>
    %add3A_170 = arith.addf %add3A_168, %add3A_169 : vector<2048x128xf32>
    %slice3A_171 = vector.extract_strided_slice %dot_general3A_13 {offsets = [0, 1536], sizes = [2048, 128], strides = [1, 1]} : vector<2048x2048xf32> to vector<2048x128xf32>
    %add3A_172 = arith.addf %add3A_170, %slice3A_171 : vector<2048x128xf32>
    %lt3A_173 = arith.cmpf olt, %add3A_172, %select_n3A_161 : vector<2048x128xf32>
    %select_n3A_174 = arith.select %lt3A_173, %add3A_172, %select_n3A_161 : vector<2048x128xi1>, vector<2048x128xf32>
    %jit3A_175 = arith.constant 12 : i32
    %broadcast_in_dim3A_176 = vector.broadcast %jit3A_175 : i32 to vector<2048x128xi32>
    %select_n3A_177 = arith.select %lt3A_173, %broadcast_in_dim3A_176, %select_n3A_164 : vector<2048x128xi1>, vector<2048x128xi32>
    %get3A_178 = arith.constant 0 : index
    %get3A_179 = arith.constant 1664 : index
    %get3A_180 = vector.load %arg2[%get3A_178, %get3A_179] : memref<1x8192xf32, #tpu.memory_space<vmem>>, vector<1x128xf32>
    %add3A_181 = vector.broadcast %get3A_6 : vector<2048x1xf32> to vector<2048x128xf32>
    %add3A_182 = vector.broadcast %get3A_180 : vector<1x128xf32> to vector<2048x128xf32>
    %add3A_183 = arith.addf %add3A_181, %add3A_182 : vector<2048x128xf32>
    %slice3A_184 = vector.extract_strided_slice %dot_general3A_13 {offsets = [0, 1664], sizes = [2048, 128], strides = [1, 1]} : vector<2048x2048xf32> to vector<2048x128xf32>
    %add3A_185 = arith.addf %add3A_183, %slice3A_184 : vector<2048x128xf32>
    %lt3A_186 = arith.cmpf olt, %add3A_185, %select_n3A_174 : vector<2048x128xf32>
    %select_n3A_187 = arith.select %lt3A_186, %add3A_185, %select_n3A_174 : vector<2048x128xi1>, vector<2048x128xf32>
    %jit3A_188 = arith.constant 13 : i32
    %broadcast_in_dim3A_189 = vector.broadcast %jit3A_188 : i32 to vector<2048x128xi32>
    %select_n3A_190 = arith.select %lt3A_186, %broadcast_in_dim3A_189, %select_n3A_177 : vector<2048x128xi1>, vector<2048x128xi32>
    %get3A_191 = arith.constant 0 : index
    %get3A_192 = arith.constant 1792 : index
    %get3A_193 = vector.load %arg2[%get3A_191, %get3A_192] : memref<1x8192xf32, #tpu.memory_space<vmem>>, vector<1x128xf32>
    %add3A_194 = vector.broadcast %get3A_6 : vector<2048x1xf32> to vector<2048x128xf32>
    %add3A_195 = vector.broadcast %get3A_193 : vector<1x128xf32> to vector<2048x128xf32>
    %add3A_196 = arith.addf %add3A_194, %add3A_195 : vector<2048x128xf32>
    %slice3A_197 = vector.extract_strided_slice %dot_general3A_13 {offsets = [0, 1792], sizes = [2048, 128], strides = [1, 1]} : vector<2048x2048xf32> to vector<2048x128xf32>
    %add3A_198 = arith.addf %add3A_196, %slice3A_197 : vector<2048x128xf32>
    %lt3A_199 = arith.cmpf olt, %add3A_198, %select_n3A_187 : vector<2048x128xf32>
    %select_n3A_200 = arith.select %lt3A_199, %add3A_198, %select_n3A_187 : vector<2048x128xi1>, vector<2048x128xf32>
    %jit3A_201 = arith.constant 14 : i32
    %broadcast_in_dim3A_202 = vector.broadcast %jit3A_201 : i32 to vector<2048x128xi32>
    %select_n3A_203 = arith.select %lt3A_199, %broadcast_in_dim3A_202, %select_n3A_190 : vector<2048x128xi1>, vector<2048x128xi32>
    %get3A_204 = arith.constant 0 : index
    %get3A_205 = arith.constant 1920 : index
    %get3A_206 = vector.load %arg2[%get3A_204, %get3A_205] : memref<1x8192xf32, #tpu.memory_space<vmem>>, vector<1x128xf32>
    %add3A_207 = vector.broadcast %get3A_6 : vector<2048x1xf32> to vector<2048x128xf32>
    %add3A_208 = vector.broadcast %get3A_206 : vector<1x128xf32> to vector<2048x128xf32>
    %add3A_209 = arith.addf %add3A_207, %add3A_208 : vector<2048x128xf32>
    %slice3A_210 = vector.extract_strided_slice %dot_general3A_13 {offsets = [0, 1920], sizes = [2048, 128], strides = [1, 1]} : vector<2048x2048xf32> to vector<2048x128xf32>
    %add3A_211 = arith.addf %add3A_209, %slice3A_210 : vector<2048x128xf32>
    %lt3A_212 = arith.cmpf olt, %add3A_211, %select_n3A_200 : vector<2048x128xf32>
    %select_n3A_213 = arith.select %lt3A_212, %add3A_211, %select_n3A_200 : vector<2048x128xi1>, vector<2048x128xf32>
    %jit3A_214 = arith.constant 15 : i32
    %broadcast_in_dim3A_215 = vector.broadcast %jit3A_214 : i32 to vector<2048x128xi32>
    %select_n3A_216 = arith.select %lt3A_212, %broadcast_in_dim3A_215, %select_n3A_203 : vector<2048x128xi1>, vector<2048x128xi32>
    %get3A_217 = arith.constant 2048 : index
    %get3A_218 = arith.constant 0 : index
    %get3A_219 = vector.load %arg4[%get3A_217, %get3A_218] : memref<8192x256xf32, #tpu.memory_space<vmem>>, vector<2048x256xf32>
    %dot_general3A_220 = arith.constant dense<0.000000e+00> : vector<2048x2048xf32>
    %dot_general3A_221 = tpu.matmul %mul3A_3, %get3A_219, %dot_general3A_220 {dimension_numbers = #tpu.dot_dimension_numbers<[1], [1], [0], [0], [0, 0, 1, 0], [], []>, transpose_lhs_hint = false} : vector<2048x256xf32>, vector<2048x256xf32>, vector<2048x2048xf32> -> vector<2048x2048xf32>
    %get3A_222 = arith.constant 0 : index
    %get3A_223 = arith.constant 2048 : index
    %get3A_224 = vector.load %arg2[%get3A_222, %get3A_223] : memref<1x8192xf32, #tpu.memory_space<vmem>>, vector<1x128xf32>
    %add3A_225 = vector.broadcast %get3A_6 : vector<2048x1xf32> to vector<2048x128xf32>
    %add3A_226 = vector.broadcast %get3A_224 : vector<1x128xf32> to vector<2048x128xf32>
    %add3A_227 = arith.addf %add3A_225, %add3A_226 : vector<2048x128xf32>
    %slice3A_228 = vector.extract_strided_slice %dot_general3A_221 {offsets = [0, 0], sizes = [2048, 128], strides = [1, 1]} : vector<2048x2048xf32> to vector<2048x128xf32>
    %add3A_229 = arith.addf %add3A_227, %slice3A_228 : vector<2048x128xf32>
    %lt3A_230 = arith.cmpf olt, %add3A_229, %select_n3A_213 : vector<2048x128xf32>
    %select_n3A_231 = arith.select %lt3A_230, %add3A_229, %select_n3A_213 : vector<2048x128xi1>, vector<2048x128xf32>
    %jit3A_232 = arith.constant 16 : i32
    %broadcast_in_dim3A_233 = vector.broadcast %jit3A_232 : i32 to vector<2048x128xi32>
    %select_n3A_234 = arith.select %lt3A_230, %broadcast_in_dim3A_233, %select_n3A_216 : vector<2048x128xi1>, vector<2048x128xi32>
    %get3A_235 = arith.constant 0 : index
    %get3A_236 = arith.constant 2176 : index
    %get3A_237 = vector.load %arg2[%get3A_235, %get3A_236] : memref<1x8192xf32, #tpu.memory_space<vmem>>, vector<1x128xf32>
    %add3A_238 = vector.broadcast %get3A_6 : vector<2048x1xf32> to vector<2048x128xf32>
    %add3A_239 = vector.broadcast %get3A_237 : vector<1x128xf32> to vector<2048x128xf32>
    %add3A_240 = arith.addf %add3A_238, %add3A_239 : vector<2048x128xf32>
    %slice3A_241 = vector.extract_strided_slice %dot_general3A_221 {offsets = [0, 128], sizes = [2048, 128], strides = [1, 1]} : vector<2048x2048xf32> to vector<2048x128xf32>
    %add3A_242 = arith.addf %add3A_240, %slice3A_241 : vector<2048x128xf32>
    %lt3A_243 = arith.cmpf olt, %add3A_242, %select_n3A_231 : vector<2048x128xf32>
    %select_n3A_244 = arith.select %lt3A_243, %add3A_242, %select_n3A_231 : vector<2048x128xi1>, vector<2048x128xf32>
    %jit3A_245 = arith.constant 17 : i32
    %broadcast_in_dim3A_246 = vector.broadcast %jit3A_245 : i32 to vector<2048x128xi32>
    %select_n3A_247 = arith.select %lt3A_243, %broadcast_in_dim3A_246, %select_n3A_234 : vector<2048x128xi1>, vector<2048x128xi32>
    %get3A_248 = arith.constant 0 : index
    %get3A_249 = arith.constant 2304 : index
    %get3A_250 = vector.load %arg2[%get3A_248, %get3A_249] : memref<1x8192xf32, #tpu.memory_space<vmem>>, vector<1x128xf32>
    %add3A_251 = vector.broadcast %get3A_6 : vector<2048x1xf32> to vector<2048x128xf32>
    %add3A_252 = vector.broadcast %get3A_250 : vector<1x128xf32> to vector<2048x128xf32>
    %add3A_253 = arith.addf %add3A_251, %add3A_252 : vector<2048x128xf32>
    %slice3A_254 = vector.extract_strided_slice %dot_general3A_221 {offsets = [0, 256], sizes = [2048, 128], strides = [1, 1]} : vector<2048x2048xf32> to vector<2048x128xf32>
    %add3A_255 = arith.addf %add3A_253, %slice3A_254 : vector<2048x128xf32>
    %lt3A_256 = arith.cmpf olt, %add3A_255, %select_n3A_244 : vector<2048x128xf32>
    %select_n3A_257 = arith.select %lt3A_256, %add3A_255, %select_n3A_244 : vector<2048x128xi1>, vector<2048x128xf32>
    %jit3A_258 = arith.constant 18 : i32
    %broadcast_in_dim3A_259 = vector.broadcast %jit3A_258 : i32 to vector<2048x128xi32>
    %select_n3A_260 = arith.select %lt3A_256, %broadcast_in_dim3A_259, %select_n3A_247 : vector<2048x128xi1>, vector<2048x128xi32>
    %get3A_261 = arith.constant 0 : index
    %get3A_262 = arith.constant 2432 : index
    %get3A_263 = vector.load %arg2[%get3A_261, %get3A_262] : memref<1x8192xf32, #tpu.memory_space<vmem>>, vector<1x128xf32>
    %add3A_264 = vector.broadcast %get3A_6 : vector<2048x1xf32> to vector<2048x128xf32>
    %add3A_265 = vector.broadcast %get3A_263 : vector<1x128xf32> to vector<2048x128xf32>
    %add3A_266 = arith.addf %add3A_264, %add3A_265 : vector<2048x128xf32>
    %slice3A_267 = vector.extract_strided_slice %dot_general3A_221 {offsets = [0, 384], sizes = [2048, 128], strides = [1, 1]} : vector<2048x2048xf32> to vector<2048x128xf32>
    %add3A_268 = arith.addf %add3A_266, %slice3A_267 : vector<2048x128xf32>
    %lt3A_269 = arith.cmpf olt, %add3A_268, %select_n3A_257 : vector<2048x128xf32>
    %select_n3A_270 = arith.select %lt3A_269, %add3A_268, %select_n3A_257 : vector<2048x128xi1>, vector<2048x128xf32>
    %jit3A_271 = arith.constant 19 : i32
    %broadcast_in_dim3A_272 = vector.broadcast %jit3A_271 : i32 to vector<2048x128xi32>
    %select_n3A_273 = arith.select %lt3A_269, %broadcast_in_dim3A_272, %select_n3A_260 : vector<2048x128xi1>, vector<2048x128xi32>
    %get3A_274 = arith.constant 0 : index
    %get3A_275 = arith.constant 2560 : index
    %get3A_276 = vector.load %arg2[%get3A_274, %get3A_275] : memref<1x8192xf32, #tpu.memory_space<vmem>>, vector<1x128xf32>
    %add3A_277 = vector.broadcast %get3A_6 : vector<2048x1xf32> to vector<2048x128xf32>
    %add3A_278 = vector.broadcast %get3A_276 : vector<1x128xf32> to vector<2048x128xf32>
    %add3A_279 = arith.addf %add3A_277, %add3A_278 : vector<2048x128xf32>
    %slice3A_280 = vector.extract_strided_slice %dot_general3A_221 {offsets = [0, 512], sizes = [2048, 128], strides = [1, 1]} : vector<2048x2048xf32> to vector<2048x128xf32>
    %add3A_281 = arith.addf %add3A_279, %slice3A_280 : vector<2048x128xf32>
    %lt3A_282 = arith.cmpf olt, %add3A_281, %select_n3A_270 : vector<2048x128xf32>
    %select_n3A_283 = arith.select %lt3A_282, %add3A_281, %select_n3A_270 : vector<2048x128xi1>, vector<2048x128xf32>
    %jit3A_284 = arith.constant 20 : i32
    %broadcast_in_dim3A_285 = vector.broadcast %jit3A_284 : i32 to vector<2048x128xi32>
    %select_n3A_286 = arith.select %lt3A_282, %broadcast_in_dim3A_285, %select_n3A_273 : vector<2048x128xi1>, vector<2048x128xi32>
    %get3A_287 = arith.constant 0 : index
    %get3A_288 = arith.constant 2688 : index
    %get3A_289 = vector.load %arg2[%get3A_287, %get3A_288] : memref<1x8192xf32, #tpu.memory_space<vmem>>, vector<1x128xf32>
    %add3A_290 = vector.broadcast %get3A_6 : vector<2048x1xf32> to vector<2048x128xf32>
    %add3A_291 = vector.broadcast %get3A_289 : vector<1x128xf32> to vector<2048x128xf32>
    %add3A_292 = arith.addf %add3A_290, %add3A_291 : vector<2048x128xf32>
    %slice3A_293 = vector.extract_strided_slice %dot_general3A_221 {offsets = [0, 640], sizes = [2048, 128], strides = [1, 1]} : vector<2048x2048xf32> to vector<2048x128xf32>
    %add3A_294 = arith.addf %add3A_292, %slice3A_293 : vector<2048x128xf32>
    %lt3A_295 = arith.cmpf olt, %add3A_294, %select_n3A_283 : vector<2048x128xf32>
    %select_n3A_296 = arith.select %lt3A_295, %add3A_294, %select_n3A_283 : vector<2048x128xi1>, vector<2048x128xf32>
    %jit3A_297 = arith.constant 21 : i32
    %broadcast_in_dim3A_298 = vector.broadcast %jit3A_297 : i32 to vector<2048x128xi32>
    %select_n3A_299 = arith.select %lt3A_295, %broadcast_in_dim3A_298, %select_n3A_286 : vector<2048x128xi1>, vector<2048x128xi32>
    %get3A_300 = arith.constant 0 : index
    %get3A_301 = arith.constant 2816 : index
    %get3A_302 = vector.load %arg2[%get3A_300, %get3A_301] : memref<1x8192xf32, #tpu.memory_space<vmem>>, vector<1x128xf32>
    %add3A_303 = vector.broadcast %get3A_6 : vector<2048x1xf32> to vector<2048x128xf32>
    %add3A_304 = vector.broadcast %get3A_302 : vector<1x128xf32> to vector<2048x128xf32>
    %add3A_305 = arith.addf %add3A_303, %add3A_304 : vector<2048x128xf32>
    %slice3A_306 = vector.extract_strided_slice %dot_general3A_221 {offsets = [0, 768], sizes = [2048, 128], strides = [1, 1]} : vector<2048x2048xf32> to vector<2048x128xf32>
    %add3A_307 = arith.addf %add3A_305, %slice3A_306 : vector<2048x128xf32>
    %lt3A_308 = arith.cmpf olt, %add3A_307, %select_n3A_296 : vector<2048x128xf32>
    %select_n3A_309 = arith.select %lt3A_308, %add3A_307, %select_n3A_296 : vector<2048x128xi1>, vector<2048x128xf32>
    %jit3A_310 = arith.constant 22 : i32
    %broadcast_in_dim3A_311 = vector.broadcast %jit3A_310 : i32 to vector<2048x128xi32>
    %select_n3A_312 = arith.select %lt3A_308, %broadcast_in_dim3A_311, %select_n3A_299 : vector<2048x128xi1>, vector<2048x128xi32>
    %get3A_313 = arith.constant 0 : index
    %get3A_314 = arith.constant 2944 : index
    %get3A_315 = vector.load %arg2[%get3A_313, %get3A_314] : memref<1x8192xf32, #tpu.memory_space<vmem>>, vector<1x128xf32>
    %add3A_316 = vector.broadcast %get3A_6 : vector<2048x1xf32> to vector<2048x128xf32>
    %add3A_317 = vector.broadcast %get3A_315 : vector<1x128xf32> to vector<2048x128xf32>
    %add3A_318 = arith.addf %add3A_316, %add3A_317 : vector<2048x128xf32>
    %slice3A_319 = vector.extract_strided_slice %dot_general3A_221 {offsets = [0, 896], sizes = [2048, 128], strides = [1, 1]} : vector<2048x2048xf32> to vector<2048x128xf32>
    %add3A_320 = arith.addf %add3A_318, %slice3A_319 : vector<2048x128xf32>
    %lt3A_321 = arith.cmpf olt, %add3A_320, %select_n3A_309 : vector<2048x128xf32>
    %select_n3A_322 = arith.select %lt3A_321, %add3A_320, %select_n3A_309 : vector<2048x128xi1>, vector<2048x128xf32>
    %jit3A_323 = arith.constant 23 : i32
    %broadcast_in_dim3A_324 = vector.broadcast %jit3A_323 : i32 to vector<2048x128xi32>
    %select_n3A_325 = arith.select %lt3A_321, %broadcast_in_dim3A_324, %select_n3A_312 : vector<2048x128xi1>, vector<2048x128xi32>
    %get3A_326 = arith.constant 0 : index
    %get3A_327 = arith.constant 3072 : index
    %get3A_328 = vector.load %arg2[%get3A_326, %get3A_327] : memref<1x8192xf32, #tpu.memory_space<vmem>>, vector<1x128xf32>
    %add3A_329 = vector.broadcast %get3A_6 : vector<2048x1xf32> to vector<2048x128xf32>
    %add3A_330 = vector.broadcast %get3A_328 : vector<1x128xf32> to vector<2048x128xf32>
    %add3A_331 = arith.addf %add3A_329, %add3A_330 : vector<2048x128xf32>
    %slice3A_332 = vector.extract_strided_slice %dot_general3A_221 {offsets = [0, 1024], sizes = [2048, 128], strides = [1, 1]} : vector<2048x2048xf32> to vector<2048x128xf32>
    %add3A_333 = arith.addf %add3A_331, %slice3A_332 : vector<2048x128xf32>
    %lt3A_334 = arith.cmpf olt, %add3A_333, %select_n3A_322 : vector<2048x128xf32>
    %select_n3A_335 = arith.select %lt3A_334, %add3A_333, %select_n3A_322 : vector<2048x128xi1>, vector<2048x128xf32>
    %jit3A_336 = arith.constant 24 : i32
    %broadcast_in_dim3A_337 = vector.broadcast %jit3A_336 : i32 to vector<2048x128xi32>
    %select_n3A_338 = arith.select %lt3A_334, %broadcast_in_dim3A_337, %select_n3A_325 : vector<2048x128xi1>, vector<2048x128xi32>
    %get3A_339 = arith.constant 0 : index
    %get3A_340 = arith.constant 3200 : index
    %get3A_341 = vector.load %arg2[%get3A_339, %get3A_340] : memref<1x8192xf32, #tpu.memory_space<vmem>>, vector<1x128xf32>
    %add3A_342 = vector.broadcast %get3A_6 : vector<2048x1xf32> to vector<2048x128xf32>
    %add3A_343 = vector.broadcast %get3A_341 : vector<1x128xf32> to vector<2048x128xf32>
    %add3A_344 = arith.addf %add3A_342, %add3A_343 : vector<2048x128xf32>
    %slice3A_345 = vector.extract_strided_slice %dot_general3A_221 {offsets = [0, 1152], sizes = [2048, 128], strides = [1, 1]} : vector<2048x2048xf32> to vector<2048x128xf32>
    %add3A_346 = arith.addf %add3A_344, %slice3A_345 : vector<2048x128xf32>
    %lt3A_347 = arith.cmpf olt, %add3A_346, %select_n3A_335 : vector<2048x128xf32>
    %select_n3A_348 = arith.select %lt3A_347, %add3A_346, %select_n3A_335 : vector<2048x128xi1>, vector<2048x128xf32>
    %jit3A_349 = arith.constant 25 : i32
    %broadcast_in_dim3A_350 = vector.broadcast %jit3A_349 : i32 to vector<2048x128xi32>
    %select_n3A_351 = arith.select %lt3A_347, %broadcast_in_dim3A_350, %select_n3A_338 : vector<2048x128xi1>, vector<2048x128xi32>
    %get3A_352 = arith.constant 0 : index
    %get3A_353 = arith.constant 3328 : index
    %get3A_354 = vector.load %arg2[%get3A_352, %get3A_353] : memref<1x8192xf32, #tpu.memory_space<vmem>>, vector<1x128xf32>
    %add3A_355 = vector.broadcast %get3A_6 : vector<2048x1xf32> to vector<2048x128xf32>
    %add3A_356 = vector.broadcast %get3A_354 : vector<1x128xf32> to vector<2048x128xf32>
    %add3A_357 = arith.addf %add3A_355, %add3A_356 : vector<2048x128xf32>
    %slice3A_358 = vector.extract_strided_slice %dot_general3A_221 {offsets = [0, 1280], sizes = [2048, 128], strides = [1, 1]} : vector<2048x2048xf32> to vector<2048x128xf32>
    %add3A_359 = arith.addf %add3A_357, %slice3A_358 : vector<2048x128xf32>
    %lt3A_360 = arith.cmpf olt, %add3A_359, %select_n3A_348 : vector<2048x128xf32>
    %select_n3A_361 = arith.select %lt3A_360, %add3A_359, %select_n3A_348 : vector<2048x128xi1>, vector<2048x128xf32>
    %jit3A_362 = arith.constant 26 : i32
    %broadcast_in_dim3A_363 = vector.broadcast %jit3A_362 : i32 to vector<2048x128xi32>
    %select_n3A_364 = arith.select %lt3A_360, %broadcast_in_dim3A_363, %select_n3A_351 : vector<2048x128xi1>, vector<2048x128xi32>
    %get3A_365 = arith.constant 0 : index
    %get3A_366 = arith.constant 3456 : index
    %get3A_367 = vector.load %arg2[%get3A_365, %get3A_366] : memref<1x8192xf32, #tpu.memory_space<vmem>>, vector<1x128xf32>
    %add3A_368 = vector.broadcast %get3A_6 : vector<2048x1xf32> to vector<2048x128xf32>
    %add3A_369 = vector.broadcast %get3A_367 : vector<1x128xf32> to vector<2048x128xf32>
    %add3A_370 = arith.addf %add3A_368, %add3A_369 : vector<2048x128xf32>
    %slice3A_371 = vector.extract_strided_slice %dot_general3A_221 {offsets = [0, 1408], sizes = [2048, 128], strides = [1, 1]} : vector<2048x2048xf32> to vector<2048x128xf32>
    %add3A_372 = arith.addf %add3A_370, %slice3A_371 : vector<2048x128xf32>
    %lt3A_373 = arith.cmpf olt, %add3A_372, %select_n3A_361 : vector<2048x128xf32>
    %select_n3A_374 = arith.select %lt3A_373, %add3A_372, %select_n3A_361 : vector<2048x128xi1>, vector<2048x128xf32>
    %jit3A_375 = arith.constant 27 : i32
    %broadcast_in_dim3A_376 = vector.broadcast %jit3A_375 : i32 to vector<2048x128xi32>
    %select_n3A_377 = arith.select %lt3A_373, %broadcast_in_dim3A_376, %select_n3A_364 : vector<2048x128xi1>, vector<2048x128xi32>
    %get3A_378 = arith.constant 0 : index
    %get3A_379 = arith.constant 3584 : index
    %get3A_380 = vector.load %arg2[%get3A_378, %get3A_379] : memref<1x8192xf32, #tpu.memory_space<vmem>>, vector<1x128xf32>
    %add3A_381 = vector.broadcast %get3A_6 : vector<2048x1xf32> to vector<2048x128xf32>
    %add3A_382 = vector.broadcast %get3A_380 : vector<1x128xf32> to vector<2048x128xf32>
    %add3A_383 = arith.addf %add3A_381, %add3A_382 : vector<2048x128xf32>
    %slice3A_384 = vector.extract_strided_slice %dot_general3A_221 {offsets = [0, 1536], sizes = [2048, 128], strides = [1, 1]} : vector<2048x2048xf32> to vector<2048x128xf32>
    %add3A_385 = arith.addf %add3A_383, %slice3A_384 : vector<2048x128xf32>
    %lt3A_386 = arith.cmpf olt, %add3A_385, %select_n3A_374 : vector<2048x128xf32>
    %select_n3A_387 = arith.select %lt3A_386, %add3A_385, %select_n3A_374 : vector<2048x128xi1>, vector<2048x128xf32>
    %jit3A_388 = arith.constant 28 : i32
    %broadcast_in_dim3A_389 = vector.broadcast %jit3A_388 : i32 to vector<2048x128xi32>
    %select_n3A_390 = arith.select %lt3A_386, %broadcast_in_dim3A_389, %select_n3A_377 : vector<2048x128xi1>, vector<2048x128xi32>
    %get3A_391 = arith.constant 0 : index
    %get3A_392 = arith.constant 3712 : index
    %get3A_393 = vector.load %arg2[%get3A_391, %get3A_392] : memref<1x8192xf32, #tpu.memory_space<vmem>>, vector<1x128xf32>
    %add3A_394 = vector.broadcast %get3A_6 : vector<2048x1xf32> to vector<2048x128xf32>
    %add3A_395 = vector.broadcast %get3A_393 : vector<1x128xf32> to vector<2048x128xf32>
    %add3A_396 = arith.addf %add3A_394, %add3A_395 : vector<2048x128xf32>
    %slice3A_397 = vector.extract_strided_slice %dot_general3A_221 {offsets = [0, 1664], sizes = [2048, 128], strides = [1, 1]} : vector<2048x2048xf32> to vector<2048x128xf32>
    %add3A_398 = arith.addf %add3A_396, %slice3A_397 : vector<2048x128xf32>
    %lt3A_399 = arith.cmpf olt, %add3A_398, %select_n3A_387 : vector<2048x128xf32>
    %select_n3A_400 = arith.select %lt3A_399, %add3A_398, %select_n3A_387 : vector<2048x128xi1>, vector<2048x128xf32>
    %jit3A_401 = arith.constant 29 : i32
    %broadcast_in_dim3A_402 = vector.broadcast %jit3A_401 : i32 to vector<2048x128xi32>
    %select_n3A_403 = arith.select %lt3A_399, %broadcast_in_dim3A_402, %select_n3A_390 : vector<2048x128xi1>, vector<2048x128xi32>
    %get3A_404 = arith.constant 0 : index
    %get3A_405 = arith.constant 3840 : index
    %get3A_406 = vector.load %arg2[%get3A_404, %get3A_405] : memref<1x8192xf32, #tpu.memory_space<vmem>>, vector<1x128xf32>
    %add3A_407 = vector.broadcast %get3A_6 : vector<2048x1xf32> to vector<2048x128xf32>
    %add3A_408 = vector.broadcast %get3A_406 : vector<1x128xf32> to vector<2048x128xf32>
    %add3A_409 = arith.addf %add3A_407, %add3A_408 : vector<2048x128xf32>
    %slice3A_410 = vector.extract_strided_slice %dot_general3A_221 {offsets = [0, 1792], sizes = [2048, 128], strides = [1, 1]} : vector<2048x2048xf32> to vector<2048x128xf32>
    %add3A_411 = arith.addf %add3A_409, %slice3A_410 : vector<2048x128xf32>
    %lt3A_412 = arith.cmpf olt, %add3A_411, %select_n3A_400 : vector<2048x128xf32>
    %select_n3A_413 = arith.select %lt3A_412, %add3A_411, %select_n3A_400 : vector<2048x128xi1>, vector<2048x128xf32>
    %jit3A_414 = arith.constant 30 : i32
    %broadcast_in_dim3A_415 = vector.broadcast %jit3A_414 : i32 to vector<2048x128xi32>
    %select_n3A_416 = arith.select %lt3A_412, %broadcast_in_dim3A_415, %select_n3A_403 : vector<2048x128xi1>, vector<2048x128xi32>
    %get3A_417 = arith.constant 0 : index
    %get3A_418 = arith.constant 3968 : index
    %get3A_419 = vector.load %arg2[%get3A_417, %get3A_418] : memref<1x8192xf32, #tpu.memory_space<vmem>>, vector<1x128xf32>
    %add3A_420 = vector.broadcast %get3A_6 : vector<2048x1xf32> to vector<2048x128xf32>
    %add3A_421 = vector.broadcast %get3A_419 : vector<1x128xf32> to vector<2048x128xf32>
    %add3A_422 = arith.addf %add3A_420, %add3A_421 : vector<2048x128xf32>
    %slice3A_423 = vector.extract_strided_slice %dot_general3A_221 {offsets = [0, 1920], sizes = [2048, 128], strides = [1, 1]} : vector<2048x2048xf32> to vector<2048x128xf32>
    %add3A_424 = arith.addf %add3A_422, %slice3A_423 : vector<2048x128xf32>
    %lt3A_425 = arith.cmpf olt, %add3A_424, %select_n3A_413 : vector<2048x128xf32>
    %select_n3A_426 = arith.select %lt3A_425, %add3A_424, %select_n3A_413 : vector<2048x128xi1>, vector<2048x128xf32>
    %jit3A_427 = arith.constant 31 : i32
    %broadcast_in_dim3A_428 = vector.broadcast %jit3A_427 : i32 to vector<2048x128xi32>
    %select_n3A_429 = arith.select %lt3A_425, %broadcast_in_dim3A_428, %select_n3A_416 : vector<2048x128xi1>, vector<2048x128xi32>
    %get3A_430 = arith.constant 4096 : index
    %get3A_431 = arith.constant 0 : index
    %get3A_432 = vector.load %arg4[%get3A_430, %get3A_431] : memref<8192x256xf32, #tpu.memory_space<vmem>>, vector<2048x256xf32>
    %dot_general3A_433 = arith.constant dense<0.000000e+00> : vector<2048x2048xf32>
    %dot_general3A_434 = tpu.matmul %mul3A_3, %get3A_432, %dot_general3A_433 {dimension_numbers = #tpu.dot_dimension_numbers<[1], [1], [0], [0], [0, 0, 1, 0], [], []>, transpose_lhs_hint = false} : vector<2048x256xf32>, vector<2048x256xf32>, vector<2048x2048xf32> -> vector<2048x2048xf32>
    %get3A_435 = arith.constant 0 : index
    %get3A_436 = arith.constant 4096 : index
    %get3A_437 = vector.load %arg2[%get3A_435, %get3A_436] : memref<1x8192xf32, #tpu.memory_space<vmem>>, vector<1x128xf32>
    %add3A_438 = vector.broadcast %get3A_6 : vector<2048x1xf32> to vector<2048x128xf32>
    %add3A_439 = vector.broadcast %get3A_437 : vector<1x128xf32> to vector<2048x128xf32>
    %add3A_440 = arith.addf %add3A_438, %add3A_439 : vector<2048x128xf32>
    %slice3A_441 = vector.extract_strided_slice %dot_general3A_434 {offsets = [0, 0], sizes = [2048, 128], strides = [1, 1]} : vector<2048x2048xf32> to vector<2048x128xf32>
    %add3A_442 = arith.addf %add3A_440, %slice3A_441 : vector<2048x128xf32>
    %lt3A_443 = arith.cmpf olt, %add3A_442, %select_n3A_426 : vector<2048x128xf32>
    %select_n3A_444 = arith.select %lt3A_443, %add3A_442, %select_n3A_426 : vector<2048x128xi1>, vector<2048x128xf32>
    %jit3A_445 = arith.constant 32 : i32
    %broadcast_in_dim3A_446 = vector.broadcast %jit3A_445 : i32 to vector<2048x128xi32>
    %select_n3A_447 = arith.select %lt3A_443, %broadcast_in_dim3A_446, %select_n3A_429 : vector<2048x128xi1>, vector<2048x128xi32>
    %get3A_448 = arith.constant 0 : index
    %get3A_449 = arith.constant 4224 : index
    %get3A_450 = vector.load %arg2[%get3A_448, %get3A_449] : memref<1x8192xf32, #tpu.memory_space<vmem>>, vector<1x128xf32>
    %add3A_451 = vector.broadcast %get3A_6 : vector<2048x1xf32> to vector<2048x128xf32>
    %add3A_452 = vector.broadcast %get3A_450 : vector<1x128xf32> to vector<2048x128xf32>
    %add3A_453 = arith.addf %add3A_451, %add3A_452 : vector<2048x128xf32>
    %slice3A_454 = vector.extract_strided_slice %dot_general3A_434 {offsets = [0, 128], sizes = [2048, 128], strides = [1, 1]} : vector<2048x2048xf32> to vector<2048x128xf32>
    %add3A_455 = arith.addf %add3A_453, %slice3A_454 : vector<2048x128xf32>
    %lt3A_456 = arith.cmpf olt, %add3A_455, %select_n3A_444 : vector<2048x128xf32>
    %select_n3A_457 = arith.select %lt3A_456, %add3A_455, %select_n3A_444 : vector<2048x128xi1>, vector<2048x128xf32>
    %jit3A_458 = arith.constant 33 : i32
    %broadcast_in_dim3A_459 = vector.broadcast %jit3A_458 : i32 to vector<2048x128xi32>
    %select_n3A_460 = arith.select %lt3A_456, %broadcast_in_dim3A_459, %select_n3A_447 : vector<2048x128xi1>, vector<2048x128xi32>
    %get3A_461 = arith.constant 0 : index
    %get3A_462 = arith.constant 4352 : index
    %get3A_463 = vector.load %arg2[%get3A_461, %get3A_462] : memref<1x8192xf32, #tpu.memory_space<vmem>>, vector<1x128xf32>
    %add3A_464 = vector.broadcast %get3A_6 : vector<2048x1xf32> to vector<2048x128xf32>
    %add3A_465 = vector.broadcast %get3A_463 : vector<1x128xf32> to vector<2048x128xf32>
    %add3A_466 = arith.addf %add3A_464, %add3A_465 : vector<2048x128xf32>
    %slice3A_467 = vector.extract_strided_slice %dot_general3A_434 {offsets = [0, 256], sizes = [2048, 128], strides = [1, 1]} : vector<2048x2048xf32> to vector<2048x128xf32>
    %add3A_468 = arith.addf %add3A_466, %slice3A_467 : vector<2048x128xf32>
    %lt3A_469 = arith.cmpf olt, %add3A_468, %select_n3A_457 : vector<2048x128xf32>
    %select_n3A_470 = arith.select %lt3A_469, %add3A_468, %select_n3A_457 : vector<2048x128xi1>, vector<2048x128xf32>
    %jit3A_471 = arith.constant 34 : i32
    %broadcast_in_dim3A_472 = vector.broadcast %jit3A_471 : i32 to vector<2048x128xi32>
    %select_n3A_473 = arith.select %lt3A_469, %broadcast_in_dim3A_472, %select_n3A_460 : vector<2048x128xi1>, vector<2048x128xi32>
    %get3A_474 = arith.constant 0 : index
    %get3A_475 = arith.constant 4480 : index
    %get3A_476 = vector.load %arg2[%get3A_474, %get3A_475] : memref<1x8192xf32, #tpu.memory_space<vmem>>, vector<1x128xf32>
    %add3A_477 = vector.broadcast %get3A_6 : vector<2048x1xf32> to vector<2048x128xf32>
    %add3A_478 = vector.broadcast %get3A_476 : vector<1x128xf32> to vector<2048x128xf32>
    %add3A_479 = arith.addf %add3A_477, %add3A_478 : vector<2048x128xf32>
    %slice3A_480 = vector.extract_strided_slice %dot_general3A_434 {offsets = [0, 384], sizes = [2048, 128], strides = [1, 1]} : vector<2048x2048xf32> to vector<2048x128xf32>
    %add3A_481 = arith.addf %add3A_479, %slice3A_480 : vector<2048x128xf32>
    %lt3A_482 = arith.cmpf olt, %add3A_481, %select_n3A_470 : vector<2048x128xf32>
    %select_n3A_483 = arith.select %lt3A_482, %add3A_481, %select_n3A_470 : vector<2048x128xi1>, vector<2048x128xf32>
    %jit3A_484 = arith.constant 35 : i32
    %broadcast_in_dim3A_485 = vector.broadcast %jit3A_484 : i32 to vector<2048x128xi32>
    %select_n3A_486 = arith.select %lt3A_482, %broadcast_in_dim3A_485, %select_n3A_473 : vector<2048x128xi1>, vector<2048x128xi32>
    %get3A_487 = arith.constant 0 : index
    %get3A_488 = arith.constant 4608 : index
    %get3A_489 = vector.load %arg2[%get3A_487, %get3A_488] : memref<1x8192xf32, #tpu.memory_space<vmem>>, vector<1x128xf32>
    %add3A_490 = vector.broadcast %get3A_6 : vector<2048x1xf32> to vector<2048x128xf32>
    %add3A_491 = vector.broadcast %get3A_489 : vector<1x128xf32> to vector<2048x128xf32>
    %add3A_492 = arith.addf %add3A_490, %add3A_491 : vector<2048x128xf32>
    %slice3A_493 = vector.extract_strided_slice %dot_general3A_434 {offsets = [0, 512], sizes = [2048, 128], strides = [1, 1]} : vector<2048x2048xf32> to vector<2048x128xf32>
    %add3A_494 = arith.addf %add3A_492, %slice3A_493 : vector<2048x128xf32>
    %lt3A_495 = arith.cmpf olt, %add3A_494, %select_n3A_483 : vector<2048x128xf32>
    %select_n3A_496 = arith.select %lt3A_495, %add3A_494, %select_n3A_483 : vector<2048x128xi1>, vector<2048x128xf32>
    %jit3A_497 = arith.constant 36 : i32
    %broadcast_in_dim3A_498 = vector.broadcast %jit3A_497 : i32 to vector<2048x128xi32>
    %select_n3A_499 = arith.select %lt3A_495, %broadcast_in_dim3A_498, %select_n3A_486 : vector<2048x128xi1>, vector<2048x128xi32>
    %get3A_500 = arith.constant 0 : index
    %get3A_501 = arith.constant 4736 : index
    %get3A_502 = vector.load %arg2[%get3A_500, %get3A_501] : memref<1x8192xf32, #tpu.memory_space<vmem>>, vector<1x128xf32>
    %add3A_503 = vector.broadcast %get3A_6 : vector<2048x1xf32> to vector<2048x128xf32>
    %add3A_504 = vector.broadcast %get3A_502 : vector<1x128xf32> to vector<2048x128xf32>
    %add3A_505 = arith.addf %add3A_503, %add3A_504 : vector<2048x128xf32>
    %slice3A_506 = vector.extract_strided_slice %dot_general3A_434 {offsets = [0, 640], sizes = [2048, 128], strides = [1, 1]} : vector<2048x2048xf32> to vector<2048x128xf32>
    %add3A_507 = arith.addf %add3A_505, %slice3A_506 : vector<2048x128xf32>
    %lt3A_508 = arith.cmpf olt, %add3A_507, %select_n3A_496 : vector<2048x128xf32>
    %select_n3A_509 = arith.select %lt3A_508, %add3A_507, %select_n3A_496 : vector<2048x128xi1>, vector<2048x128xf32>
    %jit3A_510 = arith.constant 37 : i32
    %broadcast_in_dim3A_511 = vector.broadcast %jit3A_510 : i32 to vector<2048x128xi32>
    %select_n3A_512 = arith.select %lt3A_508, %broadcast_in_dim3A_511, %select_n3A_499 : vector<2048x128xi1>, vector<2048x128xi32>
    %get3A_513 = arith.constant 0 : index
    %get3A_514 = arith.constant 4864 : index
    %get3A_515 = vector.load %arg2[%get3A_513, %get3A_514] : memref<1x8192xf32, #tpu.memory_space<vmem>>, vector<1x128xf32>
    %add3A_516 = vector.broadcast %get3A_6 : vector<2048x1xf32> to vector<2048x128xf32>
    %add3A_517 = vector.broadcast %get3A_515 : vector<1x128xf32> to vector<2048x128xf32>
    %add3A_518 = arith.addf %add3A_516, %add3A_517 : vector<2048x128xf32>
    %slice3A_519 = vector.extract_strided_slice %dot_general3A_434 {offsets = [0, 768], sizes = [2048, 128], strides = [1, 1]} : vector<2048x2048xf32> to vector<2048x128xf32>
    %add3A_520 = arith.addf %add3A_518, %slice3A_519 : vector<2048x128xf32>
    %lt3A_521 = arith.cmpf olt, %add3A_520, %select_n3A_509 : vector<2048x128xf32>
    %select_n3A_522 = arith.select %lt3A_521, %add3A_520, %select_n3A_509 : vector<2048x128xi1>, vector<2048x128xf32>
    %jit3A_523 = arith.constant 38 : i32
    %broadcast_in_dim3A_524 = vector.broadcast %jit3A_523 : i32 to vector<2048x128xi32>
    %select_n3A_525 = arith.select %lt3A_521, %broadcast_in_dim3A_524, %select_n3A_512 : vector<2048x128xi1>, vector<2048x128xi32>
    %get3A_526 = arith.constant 0 : index
    %get3A_527 = arith.constant 4992 : index
    %get3A_528 = vector.load %arg2[%get3A_526, %get3A_527] : memref<1x8192xf32, #tpu.memory_space<vmem>>, vector<1x128xf32>
    %add3A_529 = vector.broadcast %get3A_6 : vector<2048x1xf32> to vector<2048x128xf32>
    %add3A_530 = vector.broadcast %get3A_528 : vector<1x128xf32> to vector<2048x128xf32>
    %add3A_531 = arith.addf %add3A_529, %add3A_530 : vector<2048x128xf32>
    %slice3A_532 = vector.extract_strided_slice %dot_general3A_434 {offsets = [0, 896], sizes = [2048, 128], strides = [1, 1]} : vector<2048x2048xf32> to vector<2048x128xf32>
    %add3A_533 = arith.addf %add3A_531, %slice3A_532 : vector<2048x128xf32>
    %lt3A_534 = arith.cmpf olt, %add3A_533, %select_n3A_522 : vector<2048x128xf32>
    %select_n3A_535 = arith.select %lt3A_534, %add3A_533, %select_n3A_522 : vector<2048x128xi1>, vector<2048x128xf32>
    %jit3A_536 = arith.constant 39 : i32
    %broadcast_in_dim3A_537 = vector.broadcast %jit3A_536 : i32 to vector<2048x128xi32>
    %select_n3A_538 = arith.select %lt3A_534, %broadcast_in_dim3A_537, %select_n3A_525 : vector<2048x128xi1>, vector<2048x128xi32>
    %get3A_539 = arith.constant 0 : index
    %get3A_540 = arith.constant 5120 : index
    %get3A_541 = vector.load %arg2[%get3A_539, %get3A_540] : memref<1x8192xf32, #tpu.memory_space<vmem>>, vector<1x128xf32>
    %add3A_542 = vector.broadcast %get3A_6 : vector<2048x1xf32> to vector<2048x128xf32>
    %add3A_543 = vector.broadcast %get3A_541 : vector<1x128xf32> to vector<2048x128xf32>
    %add3A_544 = arith.addf %add3A_542, %add3A_543 : vector<2048x128xf32>
    %slice3A_545 = vector.extract_strided_slice %dot_general3A_434 {offsets = [0, 1024], sizes = [2048, 128], strides = [1, 1]} : vector<2048x2048xf32> to vector<2048x128xf32>
    %add3A_546 = arith.addf %add3A_544, %slice3A_545 : vector<2048x128xf32>
    %lt3A_547 = arith.cmpf olt, %add3A_546, %select_n3A_535 : vector<2048x128xf32>
    %select_n3A_548 = arith.select %lt3A_547, %add3A_546, %select_n3A_535 : vector<2048x128xi1>, vector<2048x128xf32>
    %jit3A_549 = arith.constant 40 : i32
    %broadcast_in_dim3A_550 = vector.broadcast %jit3A_549 : i32 to vector<2048x128xi32>
    %select_n3A_551 = arith.select %lt3A_547, %broadcast_in_dim3A_550, %select_n3A_538 : vector<2048x128xi1>, vector<2048x128xi32>
    %get3A_552 = arith.constant 0 : index
    %get3A_553 = arith.constant 5248 : index
    %get3A_554 = vector.load %arg2[%get3A_552, %get3A_553] : memref<1x8192xf32, #tpu.memory_space<vmem>>, vector<1x128xf32>
    %add3A_555 = vector.broadcast %get3A_6 : vector<2048x1xf32> to vector<2048x128xf32>
    %add3A_556 = vector.broadcast %get3A_554 : vector<1x128xf32> to vector<2048x128xf32>
    %add3A_557 = arith.addf %add3A_555, %add3A_556 : vector<2048x128xf32>
    %slice3A_558 = vector.extract_strided_slice %dot_general3A_434 {offsets = [0, 1152], sizes = [2048, 128], strides = [1, 1]} : vector<2048x2048xf32> to vector<2048x128xf32>
    %add3A_559 = arith.addf %add3A_557, %slice3A_558 : vector<2048x128xf32>
    %lt3A_560 = arith.cmpf olt, %add3A_559, %select_n3A_548 : vector<2048x128xf32>
    %select_n3A_561 = arith.select %lt3A_560, %add3A_559, %select_n3A_548 : vector<2048x128xi1>, vector<2048x128xf32>
    %jit3A_562 = arith.constant 41 : i32
    %broadcast_in_dim3A_563 = vector.broadcast %jit3A_562 : i32 to vector<2048x128xi32>
    %select_n3A_564 = arith.select %lt3A_560, %broadcast_in_dim3A_563, %select_n3A_551 : vector<2048x128xi1>, vector<2048x128xi32>
    %get3A_565 = arith.constant 0 : index
    %get3A_566 = arith.constant 5376 : index
    %get3A_567 = vector.load %arg2[%get3A_565, %get3A_566] : memref<1x8192xf32, #tpu.memory_space<vmem>>, vector<1x128xf32>
    %add3A_568 = vector.broadcast %get3A_6 : vector<2048x1xf32> to vector<2048x128xf32>
    %add3A_569 = vector.broadcast %get3A_567 : vector<1x128xf32> to vector<2048x128xf32>
    %add3A_570 = arith.addf %add3A_568, %add3A_569 : vector<2048x128xf32>
    %slice3A_571 = vector.extract_strided_slice %dot_general3A_434 {offsets = [0, 1280], sizes = [2048, 128], strides = [1, 1]} : vector<2048x2048xf32> to vector<2048x128xf32>
    %add3A_572 = arith.addf %add3A_570, %slice3A_571 : vector<2048x128xf32>
    %lt3A_573 = arith.cmpf olt, %add3A_572, %select_n3A_561 : vector<2048x128xf32>
    %select_n3A_574 = arith.select %lt3A_573, %add3A_572, %select_n3A_561 : vector<2048x128xi1>, vector<2048x128xf32>
    %jit3A_575 = arith.constant 42 : i32
    %broadcast_in_dim3A_576 = vector.broadcast %jit3A_575 : i32 to vector<2048x128xi32>
    %select_n3A_577 = arith.select %lt3A_573, %broadcast_in_dim3A_576, %select_n3A_564 : vector<2048x128xi1>, vector<2048x128xi32>
    %get3A_578 = arith.constant 0 : index
    %get3A_579 = arith.constant 5504 : index
    %get3A_580 = vector.load %arg2[%get3A_578, %get3A_579] : memref<1x8192xf32, #tpu.memory_space<vmem>>, vector<1x128xf32>
    %add3A_581 = vector.broadcast %get3A_6 : vector<2048x1xf32> to vector<2048x128xf32>
    %add3A_582 = vector.broadcast %get3A_580 : vector<1x128xf32> to vector<2048x128xf32>
    %add3A_583 = arith.addf %add3A_581, %add3A_582 : vector<2048x128xf32>
    %slice3A_584 = vector.extract_strided_slice %dot_general3A_434 {offsets = [0, 1408], sizes = [2048, 128], strides = [1, 1]} : vector<2048x2048xf32> to vector<2048x128xf32>
    %add3A_585 = arith.addf %add3A_583, %slice3A_584 : vector<2048x128xf32>
    %lt3A_586 = arith.cmpf olt, %add3A_585, %select_n3A_574 : vector<2048x128xf32>
    %select_n3A_587 = arith.select %lt3A_586, %add3A_585, %select_n3A_574 : vector<2048x128xi1>, vector<2048x128xf32>
    %jit3A_588 = arith.constant 43 : i32
    %broadcast_in_dim3A_589 = vector.broadcast %jit3A_588 : i32 to vector<2048x128xi32>
    %select_n3A_590 = arith.select %lt3A_586, %broadcast_in_dim3A_589, %select_n3A_577 : vector<2048x128xi1>, vector<2048x128xi32>
    %get3A_591 = arith.constant 0 : index
    %get3A_592 = arith.constant 5632 : index
    %get3A_593 = vector.load %arg2[%get3A_591, %get3A_592] : memref<1x8192xf32, #tpu.memory_space<vmem>>, vector<1x128xf32>
    %add3A_594 = vector.broadcast %get3A_6 : vector<2048x1xf32> to vector<2048x128xf32>
    %add3A_595 = vector.broadcast %get3A_593 : vector<1x128xf32> to vector<2048x128xf32>
    %add3A_596 = arith.addf %add3A_594, %add3A_595 : vector<2048x128xf32>
    %slice3A_597 = vector.extract_strided_slice %dot_general3A_434 {offsets = [0, 1536], sizes = [2048, 128], strides = [1, 1]} : vector<2048x2048xf32> to vector<2048x128xf32>
    %add3A_598 = arith.addf %add3A_596, %slice3A_597 : vector<2048x128xf32>
    %lt3A_599 = arith.cmpf olt, %add3A_598, %select_n3A_587 : vector<2048x128xf32>
    %select_n3A_600 = arith.select %lt3A_599, %add3A_598, %select_n3A_587 : vector<2048x128xi1>, vector<2048x128xf32>
    %jit3A_601 = arith.constant 44 : i32
    %broadcast_in_dim3A_602 = vector.broadcast %jit3A_601 : i32 to vector<2048x128xi32>
    %select_n3A_603 = arith.select %lt3A_599, %broadcast_in_dim3A_602, %select_n3A_590 : vector<2048x128xi1>, vector<2048x128xi32>
    %get3A_604 = arith.constant 0 : index
    %get3A_605 = arith.constant 5760 : index
    %get3A_606 = vector.load %arg2[%get3A_604, %get3A_605] : memref<1x8192xf32, #tpu.memory_space<vmem>>, vector<1x128xf32>
    %add3A_607 = vector.broadcast %get3A_6 : vector<2048x1xf32> to vector<2048x128xf32>
    %add3A_608 = vector.broadcast %get3A_606 : vector<1x128xf32> to vector<2048x128xf32>
    %add3A_609 = arith.addf %add3A_607, %add3A_608 : vector<2048x128xf32>
    %slice3A_610 = vector.extract_strided_slice %dot_general3A_434 {offsets = [0, 1664], sizes = [2048, 128], strides = [1, 1]} : vector<2048x2048xf32> to vector<2048x128xf32>
    %add3A_611 = arith.addf %add3A_609, %slice3A_610 : vector<2048x128xf32>
    %lt3A_612 = arith.cmpf olt, %add3A_611, %select_n3A_600 : vector<2048x128xf32>
    %select_n3A_613 = arith.select %lt3A_612, %add3A_611, %select_n3A_600 : vector<2048x128xi1>, vector<2048x128xf32>
    %jit3A_614 = arith.constant 45 : i32
    %broadcast_in_dim3A_615 = vector.broadcast %jit3A_614 : i32 to vector<2048x128xi32>
    %select_n3A_616 = arith.select %lt3A_612, %broadcast_in_dim3A_615, %select_n3A_603 : vector<2048x128xi1>, vector<2048x128xi32>
    %get3A_617 = arith.constant 0 : index
    %get3A_618 = arith.constant 5888 : index
    %get3A_619 = vector.load %arg2[%get3A_617, %get3A_618] : memref<1x8192xf32, #tpu.memory_space<vmem>>, vector<1x128xf32>
    %add3A_620 = vector.broadcast %get3A_6 : vector<2048x1xf32> to vector<2048x128xf32>
    %add3A_621 = vector.broadcast %get3A_619 : vector<1x128xf32> to vector<2048x128xf32>
    %add3A_622 = arith.addf %add3A_620, %add3A_621 : vector<2048x128xf32>
    %slice3A_623 = vector.extract_strided_slice %dot_general3A_434 {offsets = [0, 1792], sizes = [2048, 128], strides = [1, 1]} : vector<2048x2048xf32> to vector<2048x128xf32>
    %add3A_624 = arith.addf %add3A_622, %slice3A_623 : vector<2048x128xf32>
    %lt3A_625 = arith.cmpf olt, %add3A_624, %select_n3A_613 : vector<2048x128xf32>
    %select_n3A_626 = arith.select %lt3A_625, %add3A_624, %select_n3A_613 : vector<2048x128xi1>, vector<2048x128xf32>
    %jit3A_627 = arith.constant 46 : i32
    %broadcast_in_dim3A_628 = vector.broadcast %jit3A_627 : i32 to vector<2048x128xi32>
    %select_n3A_629 = arith.select %lt3A_625, %broadcast_in_dim3A_628, %select_n3A_616 : vector<2048x128xi1>, vector<2048x128xi32>
    %get3A_630 = arith.constant 0 : index
    %get3A_631 = arith.constant 6016 : index
    %get3A_632 = vector.load %arg2[%get3A_630, %get3A_631] : memref<1x8192xf32, #tpu.memory_space<vmem>>, vector<1x128xf32>
    %add3A_633 = vector.broadcast %get3A_6 : vector<2048x1xf32> to vector<2048x128xf32>
    %add3A_634 = vector.broadcast %get3A_632 : vector<1x128xf32> to vector<2048x128xf32>
    %add3A_635 = arith.addf %add3A_633, %add3A_634 : vector<2048x128xf32>
    %slice3A_636 = vector.extract_strided_slice %dot_general3A_434 {offsets = [0, 1920], sizes = [2048, 128], strides = [1, 1]} : vector<2048x2048xf32> to vector<2048x128xf32>
    %add3A_637 = arith.addf %add3A_635, %slice3A_636 : vector<2048x128xf32>
    %lt3A_638 = arith.cmpf olt, %add3A_637, %select_n3A_626 : vector<2048x128xf32>
    %select_n3A_639 = arith.select %lt3A_638, %add3A_637, %select_n3A_626 : vector<2048x128xi1>, vector<2048x128xf32>
    %jit3A_640 = arith.constant 47 : i32
    %broadcast_in_dim3A_641 = vector.broadcast %jit3A_640 : i32 to vector<2048x128xi32>
    %select_n3A_642 = arith.select %lt3A_638, %broadcast_in_dim3A_641, %select_n3A_629 : vector<2048x128xi1>, vector<2048x128xi32>
    %get3A_643 = arith.constant 6144 : index
    %get3A_644 = arith.constant 0 : index
    %get3A_645 = vector.load %arg4[%get3A_643, %get3A_644] : memref<8192x256xf32, #tpu.memory_space<vmem>>, vector<2048x256xf32>
    %dot_general3A_646 = arith.constant dense<0.000000e+00> : vector<2048x2048xf32>
    %dot_general3A_647 = tpu.matmul %mul3A_3, %get3A_645, %dot_general3A_646 {dimension_numbers = #tpu.dot_dimension_numbers<[1], [1], [0], [0], [0, 0, 1, 0], [], []>, transpose_lhs_hint = false} : vector<2048x256xf32>, vector<2048x256xf32>, vector<2048x2048xf32> -> vector<2048x2048xf32>
    %get3A_648 = arith.constant 0 : index
    %get3A_649 = arith.constant 6144 : index
    %get3A_650 = vector.load %arg2[%get3A_648, %get3A_649] : memref<1x8192xf32, #tpu.memory_space<vmem>>, vector<1x128xf32>
    %add3A_651 = vector.broadcast %get3A_6 : vector<2048x1xf32> to vector<2048x128xf32>
    %add3A_652 = vector.broadcast %get3A_650 : vector<1x128xf32> to vector<2048x128xf32>
    %add3A_653 = arith.addf %add3A_651, %add3A_652 : vector<2048x128xf32>
    %slice3A_654 = vector.extract_strided_slice %dot_general3A_647 {offsets = [0, 0], sizes = [2048, 128], strides = [1, 1]} : vector<2048x2048xf32> to vector<2048x128xf32>
    %add3A_655 = arith.addf %add3A_653, %slice3A_654 : vector<2048x128xf32>
    %lt3A_656 = arith.cmpf olt, %add3A_655, %select_n3A_639 : vector<2048x128xf32>
    %select_n3A_657 = arith.select %lt3A_656, %add3A_655, %select_n3A_639 : vector<2048x128xi1>, vector<2048x128xf32>
    %jit3A_658 = arith.constant 48 : i32
    %broadcast_in_dim3A_659 = vector.broadcast %jit3A_658 : i32 to vector<2048x128xi32>
    %select_n3A_660 = arith.select %lt3A_656, %broadcast_in_dim3A_659, %select_n3A_642 : vector<2048x128xi1>, vector<2048x128xi32>
    %get3A_661 = arith.constant 0 : index
    %get3A_662 = arith.constant 6272 : index
    %get3A_663 = vector.load %arg2[%get3A_661, %get3A_662] : memref<1x8192xf32, #tpu.memory_space<vmem>>, vector<1x128xf32>
    %add3A_664 = vector.broadcast %get3A_6 : vector<2048x1xf32> to vector<2048x128xf32>
    %add3A_665 = vector.broadcast %get3A_663 : vector<1x128xf32> to vector<2048x128xf32>
    %add3A_666 = arith.addf %add3A_664, %add3A_665 : vector<2048x128xf32>
    %slice3A_667 = vector.extract_strided_slice %dot_general3A_647 {offsets = [0, 128], sizes = [2048, 128], strides = [1, 1]} : vector<2048x2048xf32> to vector<2048x128xf32>
    %add3A_668 = arith.addf %add3A_666, %slice3A_667 : vector<2048x128xf32>
    %lt3A_669 = arith.cmpf olt, %add3A_668, %select_n3A_657 : vector<2048x128xf32>
    %select_n3A_670 = arith.select %lt3A_669, %add3A_668, %select_n3A_657 : vector<2048x128xi1>, vector<2048x128xf32>
    %jit3A_671 = arith.constant 49 : i32
    %broadcast_in_dim3A_672 = vector.broadcast %jit3A_671 : i32 to vector<2048x128xi32>
    %select_n3A_673 = arith.select %lt3A_669, %broadcast_in_dim3A_672, %select_n3A_660 : vector<2048x128xi1>, vector<2048x128xi32>
    %get3A_674 = arith.constant 0 : index
    %get3A_675 = arith.constant 6400 : index
    %get3A_676 = vector.load %arg2[%get3A_674, %get3A_675] : memref<1x8192xf32, #tpu.memory_space<vmem>>, vector<1x128xf32>
    %add3A_677 = vector.broadcast %get3A_6 : vector<2048x1xf32> to vector<2048x128xf32>
    %add3A_678 = vector.broadcast %get3A_676 : vector<1x128xf32> to vector<2048x128xf32>
    %add3A_679 = arith.addf %add3A_677, %add3A_678 : vector<2048x128xf32>
    %slice3A_680 = vector.extract_strided_slice %dot_general3A_647 {offsets = [0, 256], sizes = [2048, 128], strides = [1, 1]} : vector<2048x2048xf32> to vector<2048x128xf32>
    %add3A_681 = arith.addf %add3A_679, %slice3A_680 : vector<2048x128xf32>
    %lt3A_682 = arith.cmpf olt, %add3A_681, %select_n3A_670 : vector<2048x128xf32>
    %select_n3A_683 = arith.select %lt3A_682, %add3A_681, %select_n3A_670 : vector<2048x128xi1>, vector<2048x128xf32>
    %jit3A_684 = arith.constant 50 : i32
    %broadcast_in_dim3A_685 = vector.broadcast %jit3A_684 : i32 to vector<2048x128xi32>
    %select_n3A_686 = arith.select %lt3A_682, %broadcast_in_dim3A_685, %select_n3A_673 : vector<2048x128xi1>, vector<2048x128xi32>
    %get3A_687 = arith.constant 0 : index
    %get3A_688 = arith.constant 6528 : index
    %get3A_689 = vector.load %arg2[%get3A_687, %get3A_688] : memref<1x8192xf32, #tpu.memory_space<vmem>>, vector<1x128xf32>
    %add3A_690 = vector.broadcast %get3A_6 : vector<2048x1xf32> to vector<2048x128xf32>
    %add3A_691 = vector.broadcast %get3A_689 : vector<1x128xf32> to vector<2048x128xf32>
    %add3A_692 = arith.addf %add3A_690, %add3A_691 : vector<2048x128xf32>
    %slice3A_693 = vector.extract_strided_slice %dot_general3A_647 {offsets = [0, 384], sizes = [2048, 128], strides = [1, 1]} : vector<2048x2048xf32> to vector<2048x128xf32>
    %add3A_694 = arith.addf %add3A_692, %slice3A_693 : vector<2048x128xf32>
    %lt3A_695 = arith.cmpf olt, %add3A_694, %select_n3A_683 : vector<2048x128xf32>
    %select_n3A_696 = arith.select %lt3A_695, %add3A_694, %select_n3A_683 : vector<2048x128xi1>, vector<2048x128xf32>
    %jit3A_697 = arith.constant 51 : i32
    %broadcast_in_dim3A_698 = vector.broadcast %jit3A_697 : i32 to vector<2048x128xi32>
    %select_n3A_699 = arith.select %lt3A_695, %broadcast_in_dim3A_698, %select_n3A_686 : vector<2048x128xi1>, vector<2048x128xi32>
    %get3A_700 = arith.constant 0 : index
    %get3A_701 = arith.constant 6656 : index
    %get3A_702 = vector.load %arg2[%get3A_700, %get3A_701] : memref<1x8192xf32, #tpu.memory_space<vmem>>, vector<1x128xf32>
    %add3A_703 = vector.broadcast %get3A_6 : vector<2048x1xf32> to vector<2048x128xf32>
    %add3A_704 = vector.broadcast %get3A_702 : vector<1x128xf32> to vector<2048x128xf32>
    %add3A_705 = arith.addf %add3A_703, %add3A_704 : vector<2048x128xf32>
    %slice3A_706 = vector.extract_strided_slice %dot_general3A_647 {offsets = [0, 512], sizes = [2048, 128], strides = [1, 1]} : vector<2048x2048xf32> to vector<2048x128xf32>
    %add3A_707 = arith.addf %add3A_705, %slice3A_706 : vector<2048x128xf32>
    %lt3A_708 = arith.cmpf olt, %add3A_707, %select_n3A_696 : vector<2048x128xf32>
    %select_n3A_709 = arith.select %lt3A_708, %add3A_707, %select_n3A_696 : vector<2048x128xi1>, vector<2048x128xf32>
    %jit3A_710 = arith.constant 52 : i32
    %broadcast_in_dim3A_711 = vector.broadcast %jit3A_710 : i32 to vector<2048x128xi32>
    %select_n3A_712 = arith.select %lt3A_708, %broadcast_in_dim3A_711, %select_n3A_699 : vector<2048x128xi1>, vector<2048x128xi32>
    %get3A_713 = arith.constant 0 : index
    %get3A_714 = arith.constant 6784 : index
    %get3A_715 = vector.load %arg2[%get3A_713, %get3A_714] : memref<1x8192xf32, #tpu.memory_space<vmem>>, vector<1x128xf32>
    %add3A_716 = vector.broadcast %get3A_6 : vector<2048x1xf32> to vector<2048x128xf32>
    %add3A_717 = vector.broadcast %get3A_715 : vector<1x128xf32> to vector<2048x128xf32>
    %add3A_718 = arith.addf %add3A_716, %add3A_717 : vector<2048x128xf32>
    %slice3A_719 = vector.extract_strided_slice %dot_general3A_647 {offsets = [0, 640], sizes = [2048, 128], strides = [1, 1]} : vector<2048x2048xf32> to vector<2048x128xf32>
    %add3A_720 = arith.addf %add3A_718, %slice3A_719 : vector<2048x128xf32>
    %lt3A_721 = arith.cmpf olt, %add3A_720, %select_n3A_709 : vector<2048x128xf32>
    %select_n3A_722 = arith.select %lt3A_721, %add3A_720, %select_n3A_709 : vector<2048x128xi1>, vector<2048x128xf32>
    %jit3A_723 = arith.constant 53 : i32
    %broadcast_in_dim3A_724 = vector.broadcast %jit3A_723 : i32 to vector<2048x128xi32>
    %select_n3A_725 = arith.select %lt3A_721, %broadcast_in_dim3A_724, %select_n3A_712 : vector<2048x128xi1>, vector<2048x128xi32>
    %get3A_726 = arith.constant 0 : index
    %get3A_727 = arith.constant 6912 : index
    %get3A_728 = vector.load %arg2[%get3A_726, %get3A_727] : memref<1x8192xf32, #tpu.memory_space<vmem>>, vector<1x128xf32>
    %add3A_729 = vector.broadcast %get3A_6 : vector<2048x1xf32> to vector<2048x128xf32>
    %add3A_730 = vector.broadcast %get3A_728 : vector<1x128xf32> to vector<2048x128xf32>
    %add3A_731 = arith.addf %add3A_729, %add3A_730 : vector<2048x128xf32>
    %slice3A_732 = vector.extract_strided_slice %dot_general3A_647 {offsets = [0, 768], sizes = [2048, 128], strides = [1, 1]} : vector<2048x2048xf32> to vector<2048x128xf32>
    %add3A_733 = arith.addf %add3A_731, %slice3A_732 : vector<2048x128xf32>
    %lt3A_734 = arith.cmpf olt, %add3A_733, %select_n3A_722 : vector<2048x128xf32>
    %select_n3A_735 = arith.select %lt3A_734, %add3A_733, %select_n3A_722 : vector<2048x128xi1>, vector<2048x128xf32>
    %jit3A_736 = arith.constant 54 : i32
    %broadcast_in_dim3A_737 = vector.broadcast %jit3A_736 : i32 to vector<2048x128xi32>
    %select_n3A_738 = arith.select %lt3A_734, %broadcast_in_dim3A_737, %select_n3A_725 : vector<2048x128xi1>, vector<2048x128xi32>
    %get3A_739 = arith.constant 0 : index
    %get3A_740 = arith.constant 7040 : index
    %get3A_741 = vector.load %arg2[%get3A_739, %get3A_740] : memref<1x8192xf32, #tpu.memory_space<vmem>>, vector<1x128xf32>
    %add3A_742 = vector.broadcast %get3A_6 : vector<2048x1xf32> to vector<2048x128xf32>
    %add3A_743 = vector.broadcast %get3A_741 : vector<1x128xf32> to vector<2048x128xf32>
    %add3A_744 = arith.addf %add3A_742, %add3A_743 : vector<2048x128xf32>
    %slice3A_745 = vector.extract_strided_slice %dot_general3A_647 {offsets = [0, 896], sizes = [2048, 128], strides = [1, 1]} : vector<2048x2048xf32> to vector<2048x128xf32>
    %add3A_746 = arith.addf %add3A_744, %slice3A_745 : vector<2048x128xf32>
    %lt3A_747 = arith.cmpf olt, %add3A_746, %select_n3A_735 : vector<2048x128xf32>
    %select_n3A_748 = arith.select %lt3A_747, %add3A_746, %select_n3A_735 : vector<2048x128xi1>, vector<2048x128xf32>
    %jit3A_749 = arith.constant 55 : i32
    %broadcast_in_dim3A_750 = vector.broadcast %jit3A_749 : i32 to vector<2048x128xi32>
    %select_n3A_751 = arith.select %lt3A_747, %broadcast_in_dim3A_750, %select_n3A_738 : vector<2048x128xi1>, vector<2048x128xi32>
    %get3A_752 = arith.constant 0 : index
    %get3A_753 = arith.constant 7168 : index
    %get3A_754 = vector.load %arg2[%get3A_752, %get3A_753] : memref<1x8192xf32, #tpu.memory_space<vmem>>, vector<1x128xf32>
    %add3A_755 = vector.broadcast %get3A_6 : vector<2048x1xf32> to vector<2048x128xf32>
    %add3A_756 = vector.broadcast %get3A_754 : vector<1x128xf32> to vector<2048x128xf32>
    %add3A_757 = arith.addf %add3A_755, %add3A_756 : vector<2048x128xf32>
    %slice3A_758 = vector.extract_strided_slice %dot_general3A_647 {offsets = [0, 1024], sizes = [2048, 128], strides = [1, 1]} : vector<2048x2048xf32> to vector<2048x128xf32>
    %add3A_759 = arith.addf %add3A_757, %slice3A_758 : vector<2048x128xf32>
    %lt3A_760 = arith.cmpf olt, %add3A_759, %select_n3A_748 : vector<2048x128xf32>
    %select_n3A_761 = arith.select %lt3A_760, %add3A_759, %select_n3A_748 : vector<2048x128xi1>, vector<2048x128xf32>
    %jit3A_762 = arith.constant 56 : i32
    %broadcast_in_dim3A_763 = vector.broadcast %jit3A_762 : i32 to vector<2048x128xi32>
    %select_n3A_764 = arith.select %lt3A_760, %broadcast_in_dim3A_763, %select_n3A_751 : vector<2048x128xi1>, vector<2048x128xi32>
    %get3A_765 = arith.constant 0 : index
    %get3A_766 = arith.constant 7296 : index
    %get3A_767 = vector.load %arg2[%get3A_765, %get3A_766] : memref<1x8192xf32, #tpu.memory_space<vmem>>, vector<1x128xf32>
    %add3A_768 = vector.broadcast %get3A_6 : vector<2048x1xf32> to vector<2048x128xf32>
    %add3A_769 = vector.broadcast %get3A_767 : vector<1x128xf32> to vector<2048x128xf32>
    %add3A_770 = arith.addf %add3A_768, %add3A_769 : vector<2048x128xf32>
    %slice3A_771 = vector.extract_strided_slice %dot_general3A_647 {offsets = [0, 1152], sizes = [2048, 128], strides = [1, 1]} : vector<2048x2048xf32> to vector<2048x128xf32>
    %add3A_772 = arith.addf %add3A_770, %slice3A_771 : vector<2048x128xf32>
    %lt3A_773 = arith.cmpf olt, %add3A_772, %select_n3A_761 : vector<2048x128xf32>
    %select_n3A_774 = arith.select %lt3A_773, %add3A_772, %select_n3A_761 : vector<2048x128xi1>, vector<2048x128xf32>
    %jit3A_775 = arith.constant 57 : i32
    %broadcast_in_dim3A_776 = vector.broadcast %jit3A_775 : i32 to vector<2048x128xi32>
    %select_n3A_777 = arith.select %lt3A_773, %broadcast_in_dim3A_776, %select_n3A_764 : vector<2048x128xi1>, vector<2048x128xi32>
    %get3A_778 = arith.constant 0 : index
    %get3A_779 = arith.constant 7424 : index
    %get3A_780 = vector.load %arg2[%get3A_778, %get3A_779] : memref<1x8192xf32, #tpu.memory_space<vmem>>, vector<1x128xf32>
    %add3A_781 = vector.broadcast %get3A_6 : vector<2048x1xf32> to vector<2048x128xf32>
    %add3A_782 = vector.broadcast %get3A_780 : vector<1x128xf32> to vector<2048x128xf32>
    %add3A_783 = arith.addf %add3A_781, %add3A_782 : vector<2048x128xf32>
    %slice3A_784 = vector.extract_strided_slice %dot_general3A_647 {offsets = [0, 1280], sizes = [2048, 128], strides = [1, 1]} : vector<2048x2048xf32> to vector<2048x128xf32>
    %add3A_785 = arith.addf %add3A_783, %slice3A_784 : vector<2048x128xf32>
    %lt3A_786 = arith.cmpf olt, %add3A_785, %select_n3A_774 : vector<2048x128xf32>
    %select_n3A_787 = arith.select %lt3A_786, %add3A_785, %select_n3A_774 : vector<2048x128xi1>, vector<2048x128xf32>
    %jit3A_788 = arith.constant 58 : i32
    %broadcast_in_dim3A_789 = vector.broadcast %jit3A_788 : i32 to vector<2048x128xi32>
    %select_n3A_790 = arith.select %lt3A_786, %broadcast_in_dim3A_789, %select_n3A_777 : vector<2048x128xi1>, vector<2048x128xi32>
    %get3A_791 = arith.constant 0 : index
    %get3A_792 = arith.constant 7552 : index
    %get3A_793 = vector.load %arg2[%get3A_791, %get3A_792] : memref<1x8192xf32, #tpu.memory_space<vmem>>, vector<1x128xf32>
    %add3A_794 = vector.broadcast %get3A_6 : vector<2048x1xf32> to vector<2048x128xf32>
    %add3A_795 = vector.broadcast %get3A_793 : vector<1x128xf32> to vector<2048x128xf32>
    %add3A_796 = arith.addf %add3A_794, %add3A_795 : vector<2048x128xf32>
    %slice3A_797 = vector.extract_strided_slice %dot_general3A_647 {offsets = [0, 1408], sizes = [2048, 128], strides = [1, 1]} : vector<2048x2048xf32> to vector<2048x128xf32>
    %add3A_798 = arith.addf %add3A_796, %slice3A_797 : vector<2048x128xf32>
    %lt3A_799 = arith.cmpf olt, %add3A_798, %select_n3A_787 : vector<2048x128xf32>
    %select_n3A_800 = arith.select %lt3A_799, %add3A_798, %select_n3A_787 : vector<2048x128xi1>, vector<2048x128xf32>
    %jit3A_801 = arith.constant 59 : i32
    %broadcast_in_dim3A_802 = vector.broadcast %jit3A_801 : i32 to vector<2048x128xi32>
    %select_n3A_803 = arith.select %lt3A_799, %broadcast_in_dim3A_802, %select_n3A_790 : vector<2048x128xi1>, vector<2048x128xi32>
    %get3A_804 = arith.constant 0 : index
    %get3A_805 = arith.constant 7680 : index
    %get3A_806 = vector.load %arg2[%get3A_804, %get3A_805] : memref<1x8192xf32, #tpu.memory_space<vmem>>, vector<1x128xf32>
    %add3A_807 = vector.broadcast %get3A_6 : vector<2048x1xf32> to vector<2048x128xf32>
    %add3A_808 = vector.broadcast %get3A_806 : vector<1x128xf32> to vector<2048x128xf32>
    %add3A_809 = arith.addf %add3A_807, %add3A_808 : vector<2048x128xf32>
    %slice3A_810 = vector.extract_strided_slice %dot_general3A_647 {offsets = [0, 1536], sizes = [2048, 128], strides = [1, 1]} : vector<2048x2048xf32> to vector<2048x128xf32>
    %add3A_811 = arith.addf %add3A_809, %slice3A_810 : vector<2048x128xf32>
    %lt3A_812 = arith.cmpf olt, %add3A_811, %select_n3A_800 : vector<2048x128xf32>
    %select_n3A_813 = arith.select %lt3A_812, %add3A_811, %select_n3A_800 : vector<2048x128xi1>, vector<2048x128xf32>
    %jit3A_814 = arith.constant 60 : i32
    %broadcast_in_dim3A_815 = vector.broadcast %jit3A_814 : i32 to vector<2048x128xi32>
    %select_n3A_816 = arith.select %lt3A_812, %broadcast_in_dim3A_815, %select_n3A_803 : vector<2048x128xi1>, vector<2048x128xi32>
    %get3A_817 = arith.constant 0 : index
    %get3A_818 = arith.constant 7808 : index
    %get3A_819 = vector.load %arg2[%get3A_817, %get3A_818] : memref<1x8192xf32, #tpu.memory_space<vmem>>, vector<1x128xf32>
    %add3A_820 = vector.broadcast %get3A_6 : vector<2048x1xf32> to vector<2048x128xf32>
    %add3A_821 = vector.broadcast %get3A_819 : vector<1x128xf32> to vector<2048x128xf32>
    %add3A_822 = arith.addf %add3A_820, %add3A_821 : vector<2048x128xf32>
    %slice3A_823 = vector.extract_strided_slice %dot_general3A_647 {offsets = [0, 1664], sizes = [2048, 128], strides = [1, 1]} : vector<2048x2048xf32> to vector<2048x128xf32>
    %add3A_824 = arith.addf %add3A_822, %slice3A_823 : vector<2048x128xf32>
    %lt3A_825 = arith.cmpf olt, %add3A_824, %select_n3A_813 : vector<2048x128xf32>
    %select_n3A_826 = arith.select %lt3A_825, %add3A_824, %select_n3A_813 : vector<2048x128xi1>, vector<2048x128xf32>
    %jit3A_827 = arith.constant 61 : i32
    %broadcast_in_dim3A_828 = vector.broadcast %jit3A_827 : i32 to vector<2048x128xi32>
    %select_n3A_829 = arith.select %lt3A_825, %broadcast_in_dim3A_828, %select_n3A_816 : vector<2048x128xi1>, vector<2048x128xi32>
    %get3A_830 = arith.constant 0 : index
    %get3A_831 = arith.constant 7936 : index
    %get3A_832 = vector.load %arg2[%get3A_830, %get3A_831] : memref<1x8192xf32, #tpu.memory_space<vmem>>, vector<1x128xf32>
    %add3A_833 = vector.broadcast %get3A_6 : vector<2048x1xf32> to vector<2048x128xf32>
    %add3A_834 = vector.broadcast %get3A_832 : vector<1x128xf32> to vector<2048x128xf32>
    %add3A_835 = arith.addf %add3A_833, %add3A_834 : vector<2048x128xf32>
    %slice3A_836 = vector.extract_strided_slice %dot_general3A_647 {offsets = [0, 1792], sizes = [2048, 128], strides = [1, 1]} : vector<2048x2048xf32> to vector<2048x128xf32>
    %add3A_837 = arith.addf %add3A_835, %slice3A_836 : vector<2048x128xf32>
    %lt3A_838 = arith.cmpf olt, %add3A_837, %select_n3A_826 : vector<2048x128xf32>
    %select_n3A_839 = arith.select %lt3A_838, %add3A_837, %select_n3A_826 : vector<2048x128xi1>, vector<2048x128xf32>
    %jit3A_840 = arith.constant 62 : i32
    %broadcast_in_dim3A_841 = vector.broadcast %jit3A_840 : i32 to vector<2048x128xi32>
    %select_n3A_842 = arith.select %lt3A_838, %broadcast_in_dim3A_841, %select_n3A_829 : vector<2048x128xi1>, vector<2048x128xi32>
    %get3A_843 = arith.constant 0 : index
    %get3A_844 = arith.constant 8064 : index
    %get3A_845 = vector.load %arg2[%get3A_843, %get3A_844] : memref<1x8192xf32, #tpu.memory_space<vmem>>, vector<1x128xf32>
    %add3A_846 = vector.broadcast %get3A_6 : vector<2048x1xf32> to vector<2048x128xf32>
    %add3A_847 = vector.broadcast %get3A_845 : vector<1x128xf32> to vector<2048x128xf32>
    %add3A_848 = arith.addf %add3A_846, %add3A_847 : vector<2048x128xf32>
    %slice3A_849 = vector.extract_strided_slice %dot_general3A_647 {offsets = [0, 1920], sizes = [2048, 128], strides = [1, 1]} : vector<2048x2048xf32> to vector<2048x128xf32>
    %add3A_850 = arith.addf %add3A_848, %slice3A_849 : vector<2048x128xf32>
    %lt3A_851 = arith.cmpf olt, %add3A_850, %select_n3A_839 : vector<2048x128xf32>
    %select_n3A_852 = arith.select %lt3A_851, %add3A_850, %select_n3A_839 : vector<2048x128xi1>, vector<2048x128xf32>
    %jit3A_853 = arith.constant 63 : i32
    %broadcast_in_dim3A_854 = vector.broadcast %jit3A_853 : i32 to vector<2048x128xi32>
    %select_n3A_855 = arith.select %lt3A_851, %broadcast_in_dim3A_854, %select_n3A_842 : vector<2048x128xi1>, vector<2048x128xi32>
    %mul3A_856 = arith.constant 128 : i32
    %mul3A_857 = vector.broadcast %mul3A_856 : i32 to vector<2048x128xi32>
    %mul3A_858 = arith.muli %select_n3A_855, %mul3A_857 : vector<2048x128xi32>
    %iota3A = tpu.iota {dimensions = array<i32: 1>} : vector<2048x128xi32>
    %add3A_859 = arith.addi %mul3A_858, %iota3A : vector<2048x128xi32>
    %reduce_min3A = arith.constant dense<0x7F800000> : vector<2048xf32>
    %reduce_min3A_860 = vector.multi_reduction <minimumf>, %select_n3A_852, %reduce_min3A [1] : vector<2048x128xf32> to vector<2048xf32>
    %broadcast_in_dim3A_861 = vector.shape_cast %reduce_min3A_860 : vector<2048xf32> to vector<2048x1xf32>
    %eq3A = vector.broadcast %broadcast_in_dim3A_861 : vector<2048x1xf32> to vector<2048x128xf32>
    %eq3A_862 = arith.cmpf oeq, %select_n3A_852, %eq3A : vector<2048x128xf32>
    %jit3A_863 = arith.constant 8192 : i32
    %broadcast_in_dim3A_864 = vector.broadcast %jit3A_863 : i32 to vector<2048x128xi32>
    %select_n3A_865 = arith.select %eq3A_862, %add3A_859, %broadcast_in_dim3A_864 : vector<2048x128xi1>, vector<2048x128xi32>
    %reduce_min3A_866 = arith.constant dense<2147483647> : vector<2048xi32>
    %reduce_min3A_867 = vector.multi_reduction <minsi>, %select_n3A_865, %reduce_min3A_866 [1] : vector<2048x128xi32> to vector<2048xi32>
    %broadcast_in_dim3A_868 = vector.shape_cast %reduce_min3A_867 : vector<2048xi32> to vector<2048x1xi32>
    %swap3A = arith.constant 0 : index
    %swap3A_869 = arith.constant 0 : index
    %swap3A_870 = vector.load %arg5[%swap3A, %swap3A_869] : memref<2048x1xi32, #tpu.memory_space<vmem>>, vector<2048x1xi32>
    tpu.vector_store %arg5[%swap3A, %swap3A_869], %broadcast_in_dim3A_868 {strides = array<i32>} : memref<2048x1xi32, #tpu.memory_space<vmem>>, vector<2048x1xi32>,
    return
  }
  func.func @transform_0(%arg0: i32) -> (i32, i32) {
    %c0_i32 = arith.constant 0 : i32
    %c0_i32_0 = arith.constant 0 : i32
    return %arg0, %c0_i32 : i32, i32
  }
  func.func @transform_1(%arg0: i32) -> (i32, i32) {
    %c0_i32 = arith.constant 0 : i32
    %c0_i32_0 = arith.constant 0 : i32
    %c0_i32_1 = arith.constant 0 : i32
    return %c0_i32, %c0_i32_0 : i32, i32
  }
  func.func @transform_2(%arg0: i32) -> (i32, i32) {
    %c0_i32 = arith.constant 0 : i32
    %c0_i32_0 = arith.constant 0 : i32
    return %arg0, %c0_i32 : i32, i32
  }
  func.func @transform_3(%arg0: i32) -> (i32, i32) {
    %c0_i32 = arith.constant 0 : i32
    %c0_i32_0 = arith.constant 0 : i32
    %c0_i32_1 = arith.constant 0 : i32
    return %c0_i32, %c0_i32_0 : i32, i32
  }
  func.func @transform_4(%arg0: i32) -> (i32, i32) {
    %c0_i32 = arith.constant 0 : i32
    %c0_i32_0 = arith.constant 0 : i32
    return %arg0, %c0_i32 : i32, i32
  }
}

</mosaic_0001>

<sc_bundles>
// kernel: kernel.4.cloned.1.call-start
scs
__scs_entry_jumppad:
0x0: {  	(pc) =	sbr.rel $0x88, $3  }
0x1: {  	(tag) =	ssettag $0x0;
	lr =	simm.s32 $0x1  }
0x2: {  	[smem:$0x3F9F] =	sst lr;
	_ =	strace $0xD0000000  }
0x3: {  	_ = 	snop  }
0x4: {  	_ = 	snop  }
0x5: {  	_ = 	snop  }
0x6: {  	_ = 	snop  }
0x7: {  	_ = 	snop  }
__scs_overlays_trampoline_lowered:
0x8: {  	[smem:$0x3FAE] =	sst s0  }
0x9: {  	[smem:$0x3FAF] =	sst s1  }
0xa: {  	[smem:$0x3FB0] =	sst s2  }
0xb: {  	[smem:$0x3FB1] =	sst s3  }
0xc: {  	[smem:$0x3FB2] =	sst s4  }
0xd: {  	[smem:$0x3FB3] =	sst s5  }
0xe: {  	[smem:$0x3FB4] =	sst s6  }
0xf: {  	[smem:$0x3FB5] =	sst s7  }
0x10: {  	[smem:$0x3FB6] =	sst s8  }
0x11: {  	[smem:$0x3FB7] =	sst s9;
	s0 =	simm.s32 @!p0 $0x0  }
0x12: {  	s1 =	sld [smem:$0x3F9D];
	s0 =	simm.s32 @p0 $0x1  }
0x13: {  	[smem:$0x3FB8] =	sst s0;
	s0 =	simm.s32 @!p1 $0x0  }
0x14: {  	s2 =	sld [smem:$0x3F9C];
	s0 =	simm.s32 @p1 $0x1  }
0x15: {  	[smem:$0x3FB9] =	sst s0;
	s0 =	simm.s32 @!p2 $0x0  }
0x16: {  	s3 =	sld [smem:$0x3FDB];
	s0 =	simm.s32 @p2 $0x1  }
0x17: {  	s4 =	simm.s32 $0x1BF5;
	[smem:$0x3FBB] =	sst s0  }
0x18: {  	s0 =	sld [smem:$0x3F9E];
	_ =	swait.ge [sflag:s4], $0x0  }
0x19: {  	s7 =	sld [smem:$0x3F9F]  }
0x1a: {  	s8 =	sadd.s32 $0xFFFFE003, lr  }
0x1b: {  	s9 =	sadd.s32 $0xFFFFFEF7, lr;
	s5 =	simm.s32 $0xFFFFFFFF;
	p2 =	slt.u32 s8, $0xFFFFF086  }
0x1c: {  	p1 =	slt.u32 s9, $0xF7A;
	s5 =	simm.s32 @!p2 $0x0  }
0x1d: {  	s5 =	simm.s32 @p1 $0x1;
	p0 =	seq.s32 s7, s2  }
0x1e: {  	s7 =	smul.u32 @!p0 $0xF7A, s2;
	p2 =	seq.s32 @!p0 s5, $0x0  }
0x1f: {  	s9 =	smul.u32 $0xF7A, s1;
	s8 =	simm.s32 @!p0 $0x1BF5;
	p2 =	por !p2, p0  }
0x20: {  	[sflag:s8] =	ssyncset.s32 @!p0 $0xFFFFF086;
	s6 =	sadd.s32 @!p0 s3, s7;
	s7 =	simm.s32 @!p0 $0x108  }
0x21: {  	s3 =	sadd.s32 s3, s9;
	s6 =	sadd.s32 @!p0 $0x88, s6;
	s7 =	simm.s32 @p2 $0x1082  }
0x22: {  	[simem:s7], [sflag:s8] =	dma.local @!p0 [hbm:s6], $0xF7A  }
0x23: {  	s9 =	sor.u32 $0xD0000000, s2;
	s6 =	simm.s32 $0x108;
	_ =	swait.ge @!p0 [sflag:s8], $0x0  }
0x24: {  	s3 =	sadd.s32 $0x88, s3;
	s6 =	simm.s32 @!p1 $0x1082;
	[sflag:s4] =	ssyncset.s32 $0xFFFFF086  }
0x25: {  	[simem:s6], [sflag:s4] =	dma.local [hbm:s3], $0xF7A  }
0x26: {  	[smem:$0x3F9F] =	sst s1;
	(tag) =	ssettag s2;
	_ =	strace s9  }
0x27: {  	s1 =	sld [smem:$0x3FAF]  }
0x28: {  	s2 =	sld [smem:$0x3FB0]  }
0x29: {  	s4 =	sld [smem:$0x3FB2]  }
0x2a: {  	p0 =	seq.s32 s5, $0x0;
	s5 =	sld [smem:$0x3FB3]  }
0x2b: {  	s6 =	sld [smem:$0x3FB4]  }
0x2c: {  	s7 =	sld [smem:$0x3FB5]  }
0x2d: {  	s3 =	simm.s32 $0x108;
	s8 =	sld [smem:$0x3FB6]  }
0x2e: {  	s3 =	simm.s32 @!p0 $0x1082;
	s9 =	sld [smem:$0x3FB7]  }
0x2f: {  	lr =	sadd.s32 s0, s3;
	s0 =	sld [smem:$0x3FAE]  }
0x30: {  	s3 =	sld [smem:$0x3FB1]  }
0x31: {  	[smem:$0x3FBA] =	sst s10  }
0x32: {  	s10 =	sld [smem:$0x3FB8];
	_ =	sdelay $0x3  }
0x33: {  	p0 =	seq.s32 s10, $0x1;
	s10 =	sld [smem:$0x3FBA];
	_ =	sdelay $0x3  }
0x34: {  	[smem:$0x3FBA] =	sst s10  }
0x35: {  	s10 =	sld [smem:$0x3FB9];
	_ =	sdelay $0x3  }
0x36: {  	p1 =	seq.s32 s10, $0x1;
	s10 =	sld [smem:$0x3FBA];
	_ =	sdelay $0x3  }
0x37: {  	[smem:$0x3FBA] =	sst s10  }
0x38: {  	s10 =	sld [smem:$0x3FBB]  }
0x39: {  	_ = 	snop;
	(pc) =	sbr.ind lr, $3  }
0x3a: {  	_ = 	snop  }
0x3b: {  	_ = 	snop  }
0x3c: {  	p2 =	seq.s32 s10, $0x1;
	s10 =	sld [smem:$0x3FBA]  }
0x3d: {  	_ =	shalt  }
0x3e: {  	_ =	shalt  }
0x3f: {  	_ =	shalt  }
0x40: {  	_ =	shalt  }
0x41: {  	_ =	shalt  }
0x42: {  	_ =	shalt  }
0x43: {  	_ =	shalt  }
0x44: {  	_ =	shalt  }
0x45: {  	_ =	shalt  }
0x46: {  	_ =	shalt  }
0x47: {  	_ =	shalt  }
0x48: {  	_ =	shalt  }
0x49: {  	_ =	shalt  }
0x4a: {  	_ =	shalt  }
0x4b: {  	_ =	shalt  }
0x4c: {  	_ =	shalt  }
0x4d: {  	_ =	shalt  }
0x4e: {  	_ =	shalt  }
0x4f: {  	_ =	shalt  }
0x50: {  	_ =	shalt  }
0x51: {  	_ =	shalt  }
0x52: {  	_ =	shalt  }
0x53: {  	_ =	shalt  }
0x54: {  	_ =	shalt  }
0x55: {  	_ =	shalt  }
0x56: {  	_ =	shalt  }
0x57: {  	_ =	shalt  }
0x58: {  	_ =	shalt  }
0x59: {  	_ =	shalt  }
0x5a: {  	_ =	shalt  }
0x5b: {  	_ =	shalt  }
0x5c: {  	_ =	shalt  }
0x5d: {  	_ =	shalt  }
0x5e: {  	_ =	shalt  }
0x5f: {  	_ =	shalt  }
0x60: {  	_ =	shalt  }
0x61: {  	_ =	shalt  }
0x62: {  	_ =	shalt  }
0x63: {  	_ =	shalt  }
0x64: {  	_ =	shalt  }
0x65: {  	_ =	shalt  }
0x66: {  	_ =	shalt  }
0x67: {  	_ =	shalt  }
0x68: {  	_ =	shalt  }
0x69: {  	_ =	shalt  }
0x6a: {  	_ =	shalt  }
0x6b: {  	_ =	shalt  }
0x6c: {  	_ =	shalt  }
0x6d: {  	_ =	shalt  }
0x6e: {  	_ =	shalt  }
0x6f: {  	_ =	shalt  }
0x70: {  	_ =	shalt  }
0x71: {  	_ =	shalt  }
0x72: {  	_ =	shalt  }
0x73: {  	_ =	shalt  }
0x74: {  	_ =	shalt  }
0x75: {  	_ =	shalt  }
0x76: {  	_ =	shalt  }
0x77: {  	_ =	shalt  }
0x78: {  	_ =	shalt  }
0x79: {  	_ =	shalt  }
0x7a: {  	_ =	shalt  }
0x7b: {  	_ =	shalt  }
0x7c: {  	_ =	shalt  }
0x7d: {  	_ =	shalt  }
0x7e: {  	_ =	shalt  }
0x7f: {  	_ =	shalt  }
0x80: {  	_ =	shalt  }
0x81: {  	_ =	shalt  }
0x82: {  	_ =	shalt  }
0x83: {  	_ =	shalt  }
0x84: {  	_ =	shalt  }
0x85: {  	_ =	shalt  }
0x86: {  	_ =	shalt  }
0x87: {  	_ =	shalt  }
.Lfunc_end0:
.L_simem_size_0:
called_computation_lowered:
.L_overlay_start_0:
0x88: {  	s2 =	sld [smem:$0x3FD9]  }
0x89: {  	s3 =	sld [smem:$0x3FFE];
	_ =	sdelay $0x1  }
0x8a: {  	s1 =	srdreg.scid  }
0x8b: {  	s0 =	sand.u32 $0x1, s1  }
0x8c: {  	s15 =	sshll.u32 s0, $0xA;
	s2 =	sadd.s32 s3, s2  }
0x8d: {  	s2 =	sadd.s32 s2, s15  }
0x8e: {  	[smem:$0x3FC6] =	sst s2  }
0x8f: {  	_ = 	snop  }
0x90: {  	s2 =	sld [smem:$0x3FD0];
	_ =	sdelay $0x2  }
0x91: {  	s4 =	simm.s32 $0xA;
	s5 =	simm.s32 $0x10;
	s16 =	sld [smem:$0x3FC8]  }
0x92: {  	[smem:s5], [sflag:s4] =	dma.local [hbm:s2], $0x1  }
0x93: {  	_ =	swait.eq [sflag:s4], $0x1  }
0x94: {  	[sflag:s4] =	ssyncset.done $0x0  }
0x95: {  	s17 =	sld [smem:$0x10];
	[sflag:s4] =	ssyncadd.s32 $0xFFFFFFFF  }
0x96: {  	s18 =	sld [smem:$0x11];
	(tm) =	ssettm $0x1  }
0x97: {  	s19 =	sld [smem:$0x3FFB];
	_ =	sdelay $0x3  }
0x98: {  	_ =	strace s19  }
0x99: {  	s5 =	sld [smem:$0x3FFC];
	_ =	sdelay $0x3  }
0x9a: {  	_ =	strace s5  }
0x9b: {  	s5 =	sld [smem:$0x3FFD];
	_ =	sdelay $0x3  }
0x9c: {  	_ =	strace s5  }
0x9d: {  	_ =	strace $0x8FFFFFFF  }
0x9e: {  	s20 =	sld [smem:$0x3FDB];
	_ =	sdelay $0x1  }
0x9f: {  	s6 =	simm.s32 $_scs_section_size  }
0xa0: {  	s7 =	simm.s32 $_size__tile_overlayer_lowered;
	s8 =	simm.s32 $_tile_overlayer_lowered  }
0xa1: {  	s23 =	simm.s32 $0x1BFF;
	s22 =	sshll.u32 s8, $0x1;
	s5 =	sadd.s32 s6, s20  }
0xa2: {  	s9 =	simm.s32 $0x0;
	s21 =	sshll.u32 s7, $0x1;
	s7 =	sadd.s32 s22, s5  }
0xa3: {  	[timem:s9], [sflag:s23] =	dma.local [hbm:s7], s21  }
0xa4: {  	_ =	swait.ge [sflag:s23], s21  }
0xa5: {  	s6 =	ssub.s32 $0x0, s21;
	[sflag:s23] =	ssyncset.done $0x0  }
0xa6: {  	[sflag:s23] =	ssyncadd.s32 s6;
	_ =	sdelay $0x1  }
0xa7: {  	s24 =	simm.s32 $0x1B8B  }
0xa8: {  	_ =	swait.ge [sflag:s24], $0x1  }
0xa9: {  	[sflag:s24] =	ssyncset.done $0x0  }
0xaa: {  	s25 =	simm.s32 $0x1B8E;
	[sflag:s24] =	ssyncadd.s32 $0xFFFFFFFF  }
0xab: {  	s26 =	simm.s32 $execute0_lowered;
	[smem:$0x3FD2] =	sst s25  }
0xac: {  	s6 =	sshll.u32 s26, $0x1;
	_ =	strace $0x80000046;
	[dreg:$0x1] =	wrdreg $0xFFFFFFFF  }
0xad: {  	s28 =	simm.s32 $_size_execute0_lowered;
	s5 =	sadd.s32 s5, s6;
	[dreg:$0x0] =	wrdreg $0x0  }
0xae: {  	s6 =	sshll.u32 s28, $0x1;
	[dreg:$0x2] =	wrdreg s5  }
0xaf: {  	[dreg:$0x3] =	wrdreg s6  }
0xb0: {  	[dreg:$0x4] =	wrdreg $0xC0  }
0xb1: {  	_ =	task [dreg:s9], $0x5FFFF  }
0xb2: {  	[dreg:$0x1] =	wrdreg $0xFFFFFFFF  }
0xb3: {  	[dreg:$0x0] =	wrdreg $0x60  }
0xb4: {  	[dreg:$0x2] =	wrdreg s16  }
0xb5: {  	[dreg:$0x3] =	wrdreg s17  }
0xb6: {  	[dreg:$0x4] =	wrdreg s18  }
0xb7: {  	[dreg:$0x5] =	wrdreg $0x9  }
0xb8: {  	_ =	task.clear_ibuf [dreg:s9], $0x6FFFF;
	_ =	strace $0x90000046  }
0xb9: {  	s29 =	simm.s32 $0x9;
	_ =	strace $0x80000048  }
0xba: {  	_ =	swait.ge [sflag:s29], $0x1  }
0xbb: {  	[sflag:s29] =	ssyncadd.s32 $0xFFFFFFFF  }
0xbc: {  	_ =	strace $0x90000048  }
0xbd: {  	_ =	sfence  }
0xbe: {  	s30 =	sld [smem:$0x0];
	_ =	sdelay $0x2  }
0xbf: {  	s31 =	sshll.u32 s1, $0xD;
	s1 =	sshrl.u32 s1, $0x2  }
0xc0: {  	s3 =	sand.u32 $0x4000, s31;
	s1 =	sadd.s32 s1, s30  }
0xc1: {  	s0 =	sor.u32 s3, s0;
	s1 =	sshll.u32 s1, $0x11  }
0xc2: {  	s0 =	sor.u32 s1, s0  }
0xc3: {  	s0 =	sadd.s32 $0x8F2B, s0  }
0xc4: {  	[sflag:s0] =	ssyncadd.remote.s32 $0x1  }
0xc5: {  	_ =	sfence.sel $0xFFFF  }
0xc6: {  	[dreg:$0x0] =	wrdreg $0xFFFFFFFF;
	(pc) =	sbr.abs _section_cstart, $3  }
0xc7: {  	[dreg:$0x1] =	wrdreg $0xFFFFFFFF  }
0xc8: {  	_ =	task.clear_ibuf [dreg:s9], $0x2FFFF;
	_ =	strace $0x9FFFFFFF  }
0xc9: {  	(tm) =	ssettm $0x7FFFFFFF  }
tec
execute0_lowered:
.L_overlay_start_1:
0x0: {  	(tag) =	ssettag $0x1  }
0x1: {  	s1 =	rddreg [dreg:$0x0]  }
0x2: {  	s2 =	srdreg.scid;
	s4 =	rddreg [dreg:$0x1]  }
0x3: {  	s0 =	stileid.u32;
	s5 =	rddreg [dreg:$0x2]  }
0x4: {  	s3 =	simm.s32 $0x0;
	s19 =	simm.s32 $0x900;
	s20 =	simm.s32 $0x1100  }
0x5: {  	s21 =	simm.s32 $0x1900;
	s23 =	simm.s32 $0x2100;
	s24 =	simm.s32 $0x2900  }
0x6: {  	s25 =	simm.s32 $0x3100;
	s26 =	simm.s32 $0x3900;
	s8 =	simm.s32 $0x4900  }
0x7: {  	s9 =	simm.s32 $0x5100;
	s10 =	simm.s32 $0x5900;
	s11 =	simm.s32 $0x6100  }
0x8: {  	s12 =	simm.s32 $0x6900;
	s13 =	simm.s32 $0x7100;
	[smem:$0x7FF] =	sst s3  }
0x9: {  	s14 =	simm.s32 $0x7900;
	_ =	strace $0x80000047;
	[dreg:$0x6] =	wrdreg s19  }
0xa: {  	s15 =	simm.s32 $0x8100;
	s16 =	simm.s32 $0x8900;
	[dreg:$0x7] =	wrdreg s20  }
0xb: {  	s17 =	simm.s32 $0x9100;
	s28 =	simm.s32 $0xE100;
	[dreg:$0x8] =	wrdreg s21  }
0xc: {  	s29 =	simm.s32 $0xE900;
	s30 =	simm.s32 $0xF100;
	[dreg:$0x9] =	wrdreg s23  }
0xd: {  	s31 =	simm.s32 $0xF900;
	s2 =	sand.u32 $0x1, s2;
	[dreg:$0xa] =	wrdreg s24  }
0xe: {  	s6 =	sshll.u32 s0, $0x9;
	s7 =	sshll.u32 s2, $0x8;
	[dreg:$0xb] =	wrdreg s25  }
0xf: {  	s2 =	ssub.s32 $0x2, s2;
	[dreg:$0xc] =	wrdreg s26;
	s19 =	simm.s32 $0xA100  }
0x10: {  	s20 =	simm.s32 $0xA900;
	s21 =	simm.s32 $0xB100;
	s23 =	simm.s32 $0xC100  }
0x11: {  	s24 =	simm.s32 $0xC900;
	s25 =	simm.s32 $0xD100;
	s6 =	sor.u32 s7, s6  }
0x12: {  	s26 =	simm.s32 $0xD900;
	s22 =	sshrl.u32 s2, $0x1;
	s7 =	sshrl.u32 s6, $0x3  }
0x13: {  	s6 =	sshll.u32 s6, $0x5;
	s2 =	ssub.s32 s2, s22;
	s4 =	sadd.s32 s4, s7  }
0x14: {  	v2 =	vlaneseq.u32;
	s22 =	simm.s32 $0xB900;
	s18 =	sadd.s32 s5, s6;
	[dreg:$0x4] =	wrdreg s4  }
0x15: {  	vm0 =	vmmov $0xffff;
	v1 =	vshrl.u32 v2, $0x3;
	s5 =	simm.s32 $0x2;
	s6 =	simm.s32 $0x100;
	[dreg:$0x5] =	wrdreg s18  }
0x16: {  	v0 =	vand.u32 $0x7, v2;
	v2 =	vor.u32 $0x8, v2;
	v1 =	vmul.u32 $0x8, v1;
	s4 =	smax.u32 s2, $0x1;
	s18 =	simm.s32 $0x9900;
	s2 =	simm.s32 $0x1  }
.LBB2_1:
0x17: {  	s0 =	rddreg [dreg:$0x4]  }
0x18: {  	[tilespmem:s3], [sflag:$0x2] =	stream.linear.gather [hbm4b:s0+s3], $0x100, $0x38;
	[tilespmem:$0x10100] =	vst v63  }
0x19: {  	_ =	swait.ge [sflag:s5], $0x100  }
0x1a: {  	[sflag:s5] =	ssyncset.done $0x0  }
0x1b: {  	[sflag:s5] =	ssyncadd.s32 $0xFFFFFF00  }
0x1c: {  	v3 =	vld [tilespmem:$0x0];
	_ =	sdelay $0x4  }
0x1d: {  	v4 =	vshll.u32 v3, $0x1  }
0x1e: {  	v3 =	vand.u32 $0x7, v3;
	v4 =	vand.u32 $0xFFFFFFF0, v4  }
0x1f: {  	v3 =	vor.u32 v3, v4  }
0x20: {  	v4 =	vperm.xlane v3, v0;
	_ =	sdelay $0x1  }
0x21: {  	v3 =	vperm.xlane v3, v2;
	v4 =	vadd.s32 v1, v4;
	_ =	sdelay $0x1  }
0x22: {  	v3 =	vadd.s32 v1, v3;
	_ =	sdelay $0x2  }
0x23: {  	[tilespmem:s6], [sflag:$0x1] =	stream.indirect_vreg.gather [hbm4b:s1+s3], $0x80, v4, vm0, $0xb8;
	[tilespmem:$0x10100] =	vst v63  }
0x24: {  	s7 =	rddreg [dreg:$0x6]  }
0x25: {  	[tilespmem:s7], [sflag:$0x1] =	stream.indirect_vreg.gather [hbm4b:s1+s3], $0x80, v3, vm0, $0xb8;
	[tilespmem:$0x10100] =	vst v63  }
0x26: {  	v3 =	vld [tilespmem:$0x10];
	_ =	sdelay $0x4  }
0x27: {  	v49 =	vshll.u32 v3, $0x1  }
0x28: {  	v3 =	vand.u32 $0x7, v3;
	v4 =	vand.u32 $0xFFFFFFF0, v49  }
0x29: {  	v3 =	vor.u32 v3, v4  }
0x2a: {  	v4 =	vperm.xlane v3, v0;
	_ =	sdelay $0x1  }
0x2b: {  	v3 =	vperm.xlane v3, v2;
	v4 =	vadd.s32 v1, v4;
	_ =	sdelay $0x1  }
0x2c: {  	v3 =	vadd.s32 v1, v3;
	_ =	sdelay $0x1  }
0x2d: {  	s0 =	rddreg [dreg:$0x7]  }
0x2e: {  	[tilespmem:s0], [sflag:$0x1] =	stream.indirect_vreg.gather [hbm4b:s1+s3], $0x80, v4, vm0, $0xb8;
	[tilespmem:$0x10100] =	vst v63  }
0x2f: {  	s7 =	rddreg [dreg:$0x8]  }
0x30: {  	[tilespmem:s7], [sflag:$0x1] =	stream.indirect_vreg.gather [hbm4b:s1+s3], $0x80, v3, vm0, $0xb8;
	[tilespmem:$0x10100] =	vst v63  }
0x31: {  	v3 =	vld [tilespmem:$0x20];
	_ =	sdelay $0x4  }
0x32: {  	v50 =	vshll.u32 v3, $0x1  }
0x33: {  	v3 =	vand.u32 $0x7, v3;
	v4 =	vand.u32 $0xFFFFFFF0, v50  }
0x34: {  	v3 =	vor.u32 v3, v4  }
0x35: {  	v4 =	vperm.xlane v3, v0;
	_ =	sdelay $0x1  }
0x36: {  	v3 =	vperm.xlane v3, v2;
	v4 =	vadd.s32 v1, v4;
	_ =	sdelay $0x1  }
0x37: {  	v3 =	vadd.s32 v1, v3;
	_ =	sdelay $0x1  }
0x38: {  	s0 =	rddreg [dreg:$0x9]  }
0x39: {  	[tilespmem:s0], [sflag:$0x1] =	stream.indirect_vreg.gather [hbm4b:s1+s3], $0x80, v4, vm0, $0xb8;
	[tilespmem:$0x10100] =	vst v63  }
0x3a: {  	s7 =	rddreg [dreg:$0xa]  }
0x3b: {  	[tilespmem:s7], [sflag:$0x1] =	stream.indirect_vreg.gather [hbm4b:s1+s3], $0x80, v3, vm0, $0xb8;
	[tilespmem:$0x10100] =	vst v63  }
0x3c: {  	v3 =	vld [tilespmem:$0x30];
	_ =	sdelay $0x4  }
0x3d: {  	v51 =	vshll.u32 v3, $0x1  }
0x3e: {  	v3 =	vand.u32 $0x7, v3;
	v4 =	vand.u32 $0xFFFFFFF0, v51  }
0x3f: {  	v3 =	vor.u32 v3, v4  }
0x40: {  	v4 =	vperm.xlane v3, v0;
	_ =	sdelay $0x1  }
0x41: {  	v3 =	vperm.xlane v3, v2;
	v4 =	vadd.s32 v1, v4;
	_ =	sdelay $0x1  }
0x42: {  	v3 =	vadd.s32 v1, v3;
	_ =	sdelay $0x1  }
0x43: {  	s0 =	rddreg [dreg:$0xb]  }
0x44: {  	[tilespmem:s0], [sflag:$0x1] =	stream.indirect_vreg.gather [hbm4b:s1+s3], $0x80, v4, vm0, $0xb8;
	[tilespmem:$0x10100] =	vst v63  }
0x45: {  	s7 =	rddreg [dreg:$0xc]  }
0x46: {  	[tilespmem:s7], [sflag:$0x1] =	stream.indirect_vreg.gather [hbm4b:s1+s3], $0x80, v3, vm0, $0xb8;
	[tilespmem:$0x10100] =	vst v63  }
0x47: {  	v3 =	vld [tilespmem:$0x40];
	_ =	sdelay $0x4  }
0x48: {  	v52 =	vshll.u32 v3, $0x1  }
0x49: {  	v3 =	vand.u32 $0x7, v3;
	v4 =	vand.u32 $0xFFFFFFF0, v52  }
0x4a: {  	v3 =	vor.u32 v3, v4  }
0x4b: {  	v4 =	vperm.xlane v3, v0;
	_ =	sdelay $0x1  }
0x4c: {  	v3 =	vperm.xlane v3, v2;
	v4 =	vadd.s32 v1, v4;
	_ =	sdelay $0x1  }
0x4d: {  	v3 =	vadd.s32 v1, v3;
	_ =	sdelay $0x1  }
0x4e: {  	s7 =	simm.s32 $0x4100  }
0x4f: {  	[tilespmem:s7], [sflag:$0x1] =	stream.indirect_vreg.gather [hbm4b:s1+s3], $0x80, v4, vm0, $0xb8;
	[tilespmem:$0x10100] =	vst v63  }
0x50: {  	_ = 	snop  }
0x51: {  	[tilespmem:s8], [sflag:$0x1] =	stream.indirect_vreg.gather [hbm4b:s1+s3], $0x80, v3, vm0, $0xb8;
	[tilespmem:$0x10100] =	vst v63  }
0x52: {  	v3 =	vld [tilespmem:$0x50];
	_ =	sdelay $0x4  }
0x53: {  	v53 =	vshll.u32 v3, $0x1  }
0x54: {  	v3 =	vand.u32 $0x7, v3;
	v4 =	vand.u32 $0xFFFFFFF0, v53  }
0x55: {  	v3 =	vor.u32 v3, v4  }
0x56: {  	v4 =	vperm.xlane v3, v0;
	_ =	sdelay $0x1  }
0x57: {  	v3 =	vperm.xlane v3, v2;
	v4 =	vadd.s32 v1, v4;
	_ =	sdelay $0x1  }
0x58: {  	v3 =	vadd.s32 v1, v3;
	_ =	sdelay $0x2  }
0x59: {  	[tilespmem:s9], [sflag:$0x1] =	stream.indirect_vreg.gather [hbm4b:s1+s3], $0x80, v4, vm0, $0xb8;
	[tilespmem:$0x10100] =	vst v63  }
0x5a: {  	_ = 	snop  }
0x5b: {  	[tilespmem:s10], [sflag:$0x1] =	stream.indirect_vreg.gather [hbm4b:s1+s3], $0x80, v3, vm0, $0xb8;
	[tilespmem:$0x10100] =	vst v63  }
0x5c: {  	v3 =	vld [tilespmem:$0x60];
	_ =	sdelay $0x4  }
0x5d: {  	v54 =	vshll.u32 v3, $0x1  }
0x5e: {  	v3 =	vand.u32 $0x7, v3;
	v4 =	vand.u32 $0xFFFFFFF0, v54  }
0x5f: {  	v3 =	vor.u32 v3, v4  }
0x60: {  	v4 =	vperm.xlane v3, v0;
	_ =	sdelay $0x1  }
0x61: {  	v3 =	vperm.xlane v3, v2;
	v4 =	vadd.s32 v1, v4;
	_ =	sdelay $0x1  }
0x62: {  	v3 =	vadd.s32 v1, v3;
	_ =	sdelay $0x2  }
0x63: {  	[tilespmem:s11], [sflag:$0x1] =	stream.indirect_vreg.gather [hbm4b:s1+s3], $0x80, v4, vm0, $0xb8;
	[tilespmem:$0x10100] =	vst v63  }
0x64: {  	_ = 	snop  }
0x65: {  	[tilespmem:s12], [sflag:$0x1] =	stream.indirect_vreg.gather [hbm4b:s1+s3], $0x80, v3, vm0, $0xb8;
	[tilespmem:$0x10100] =	vst v63  }
0x66: {  	v3 =	vld [tilespmem:$0x70];
	_ =	sdelay $0x4  }
0x67: {  	v55 =	vshll.u32 v3, $0x1  }
0x68: {  	v3 =	vand.u32 $0x7, v3;
	v4 =	vand.u32 $0xFFFFFFF0, v55  }
0x69: {  	v3 =	vor.u32 v3, v4  }
0x6a: {  	v4 =	vperm.xlane v3, v0;
	_ =	sdelay $0x1  }
0x6b: {  	v3 =	vperm.xlane v3, v2;
	v4 =	vadd.s32 v1, v4;
	_ =	sdelay $0x1  }
0x6c: {  	v3 =	vadd.s32 v1, v3;
	_ =	sdelay $0x2  }
0x6d: {  	[tilespmem:s13], [sflag:$0x1] =	stream.indirect_vreg.gather [hbm4b:s1+s3], $0x80, v4, vm0, $0xb8;
	[tilespmem:$0x10100] =	vst v63  }
0x6e: {  	_ = 	snop  }
0x6f: {  	[tilespmem:s14], [sflag:$0x1] =	stream.indirect_vreg.gather [hbm4b:s1+s3], $0x80, v3, vm0, $0xb8;
	[tilespmem:$0x10100] =	vst v63  }
0x70: {  	v3 =	vld [tilespmem:$0x80];
	_ =	sdelay $0x4  }
0x71: {  	v56 =	vshll.u32 v3, $0x1  }
0x72: {  	v3 =	vand.u32 $0x7, v3;
	v4 =	vand.u32 $0xFFFFFFF0, v56  }
0x73: {  	v3 =	vor.u32 v3, v4  }
0x74: {  	v4 =	vperm.xlane v3, v0;
	_ =	sdelay $0x1  }
0x75: {  	v3 =	vperm.xlane v3, v2;
	v4 =	vadd.s32 v1, v4;
	_ =	sdelay $0x1  }
0x76: {  	v3 =	vadd.s32 v1, v3;
	_ =	sdelay $0x2  }
0x77: {  	[tilespmem:s15], [sflag:$0x1] =	stream.indirect_vreg.gather [hbm4b:s1+s3], $0x80, v4, vm0, $0xb8;
	[tilespmem:$0x10100] =	vst v63  }
0x78: {  	_ = 	snop  }
0x79: {  	[tilespmem:s16], [sflag:$0x1] =	stream.indirect_vreg.gather [hbm4b:s1+s3], $0x80, v3, vm0, $0xb8;
	[tilespmem:$0x10100] =	vst v63  }
0x7a: {  	v3 =	vld [tilespmem:$0x90];
	_ =	sdelay $0x4  }
0x7b: {  	v57 =	vshll.u32 v3, $0x1  }
0x7c: {  	v3 =	vand.u32 $0x7, v3;
	v4 =	vand.u32 $0xFFFFFFF0, v57  }
0x7d: {  	v3 =	vor.u32 v3, v4  }
0x7e: {  	v4 =	vperm.xlane v3, v0;
	_ =	sdelay $0x1  }
0x7f: {  	v3 =	vperm.xlane v3, v2;
	v4 =	vadd.s32 v1, v4;
	_ =	sdelay $0x1  }
0x80: {  	v3 =	vadd.s32 v1, v3;
	_ =	sdelay $0x2  }
0x81: {  	[tilespmem:s17], [sflag:$0x1] =	stream.indirect_vreg.gather [hbm4b:s1+s3], $0x80, v4, vm0, $0xb8;
	[tilespmem:$0x10100] =	vst v63  }
0x82: {  	_ = 	snop  }
0x83: {  	[tilespmem:s18], [sflag:$0x1] =	stream.indirect_vreg.gather [hbm4b:s1+s3], $0x80, v3, vm0, $0xb8;
	[tilespmem:$0x10100] =	vst v63  }
0x84: {  	v3 =	vld [tilespmem:$0xA0];
	_ =	sdelay $0x4  }
0x85: {  	v58 =	vshll.u32 v3, $0x1  }
0x86: {  	v3 =	vand.u32 $0x7, v3;
	v4 =	vand.u32 $0xFFFFFFF0, v58  }
0x87: {  	v3 =	vor.u32 v3, v4  }
0x88: {  	v4 =	vperm.xlane v3, v0;
	_ =	sdelay $0x1  }
0x89: {  	v3 =	vperm.xlane v3, v2;
	v4 =	vadd.s32 v1, v4;
	_ =	sdelay $0x1  }
0x8a: {  	v3 =	vadd.s32 v1, v3;
	_ =	sdelay $0x2  }
0x8b: {  	[tilespmem:s19], [sflag:$0x1] =	stream.indirect_vreg.gather [hbm4b:s1+s3], $0x80, v4, vm0, $0xb8;
	[tilespmem:$0x10100] =	vst v63  }
0x8c: {  	_ = 	snop  }
0x8d: {  	[tilespmem:s20], [sflag:$0x1] =	stream.indirect_vreg.gather [hbm4b:s1+s3], $0x80, v3, vm0, $0xb8;
	[tilespmem:$0x10100] =	vst v63  }
0x8e: {  	v3 =	vld [tilespmem:$0xB0];
	_ =	sdelay $0x4  }
0x8f: {  	v59 =	vshll.u32 v3, $0x1  }
0x90: {  	v3 =	vand.u32 $0x7, v3;
	v4 =	vand.u32 $0xFFFFFFF0, v59  }
0x91: {  	v3 =	vor.u32 v3, v4  }
0x92: {  	v4 =	vperm.xlane v3, v0;
	_ =	sdelay $0x1  }
0x93: {  	v3 =	vperm.xlane v3, v2;
	v4 =	vadd.s32 v1, v4;
	_ =	sdelay $0x1  }
0x94: {  	v3 =	vadd.s32 v1, v3;
	_ =	sdelay $0x2  }
0x95: {  	[tilespmem:s21], [sflag:$0x1] =	stream.indirect_vreg.gather [hbm4b:s1+s3], $0x80, v4, vm0, $0xb8;
	[tilespmem:$0x10100] =	vst v63  }
0x96: {  	_ = 	snop  }
0x97: {  	[tilespmem:s22], [sflag:$0x1] =	stream.indirect_vreg.gather [hbm4b:s1+s3], $0x80, v3, vm0, $0xb8;
	[tilespmem:$0x10100] =	vst v63  }
0x98: {  	v3 =	vld [tilespmem:$0xC0];
	_ =	sdelay $0x4  }
0x99: {  	v60 =	vshll.u32 v3, $0x1  }
0x9a: {  	v3 =	vand.u32 $0x7, v3;
	v4 =	vand.u32 $0xFFFFFFF0, v60  }
0x9b: {  	v3 =	vor.u32 v3, v4  }
0x9c: {  	v4 =	vperm.xlane v3, v0;
	_ =	sdelay $0x1  }
0x9d: {  	v3 =	vperm.xlane v3, v2;
	v4 =	vadd.s32 v1, v4;
	_ =	sdelay $0x1  }
0x9e: {  	v3 =	vadd.s32 v1, v3;
	_ =	sdelay $0x2  }
0x9f: {  	[tilespmem:s23], [sflag:$0x1] =	stream.indirect_vreg.gather [hbm4b:s1+s3], $0x80, v4, vm0, $0xb8;
	[tilespmem:$0x10100] =	vst v63  }
0xa0: {  	_ = 	snop  }
0xa1: {  	[tilespmem:s24], [sflag:$0x1] =	stream.indirect_vreg.gather [hbm4b:s1+s3], $0x80, v3, vm0, $0xb8;
	[tilespmem:$0x10100] =	vst v63  }
0xa2: {  	v3 =	vld [tilespmem:$0xD0];
	_ =	sdelay $0x4  }
0xa3: {  	v61 =	vshll.u32 v3, $0x1  }
0xa4: {  	v3 =	vand.u32 $0x7, v3;
	v4 =	vand.u32 $0xFFFFFFF0, v61  }
0xa5: {  	v3 =	vor.u32 v3, v4  }
0xa6: {  	v4 =	vperm.xlane v3, v0;
	_ =	sdelay $0x1  }
0xa7: {  	v3 =	vperm.xlane v3, v2;
	v4 =	vadd.s32 v1, v4;
	_ =	sdelay $0x1  }
0xa8: {  	v3 =	vadd.s32 v1, v3;
	_ =	sdelay $0x2  }
0xa9: {  	[tilespmem:s25], [sflag:$0x1] =	stream.indirect_vreg.gather [hbm4b:s1+s3], $0x80, v4, vm0, $0xb8;
	[tilespmem:$0x10100] =	vst v63  }
0xaa: {  	_ = 	snop  }
0xab: {  	[tilespmem:s26], [sflag:$0x1] =	stream.indirect_vreg.gather [hbm4b:s1+s3], $0x80, v3, vm0, $0xb8;
	[tilespmem:$0x10100] =	vst v63  }
0xac: {  	v3 =	vld [tilespmem:$0xE0];
	_ =	sdelay $0x4  }
0xad: {  	v62 =	vshll.u32 v3, $0x1  }
0xae: {  	v3 =	vand.u32 $0x7, v3;
	v4 =	vand.u32 $0xFFFFFFF0, v62  }
0xaf: {  	v3 =	vor.u32 v3, v4  }
0xb0: {  	v4 =	vperm.xlane v3, v0;
	_ =	sdelay $0x1  }
0xb1: {  	v3 =	vperm.xlane v3, v2;
	v4 =	vadd.s32 v1, v4;
	_ =	sdelay $0x1  }
0xb2: {  	v3 =	vadd.s32 v1, v3;
	_ =	sdelay $0x2  }
0xb3: {  	[tilespmem:s28], [sflag:$0x1] =	stream.indirect_vreg.gather [hbm4b:s1+s3], $0x80, v4, vm0, $0xb8;
	[tilespmem:$0x10100] =	vst v63  }
0xb4: {  	_ = 	snop  }
0xb5: {  	[tilespmem:s29], [sflag:$0x1] =	stream.indirect_vreg.gather [hbm4b:s1+s3], $0x80, v3, vm0, $0xb8;
	[tilespmem:$0x10100] =	vst v63  }
0xb6: {  	v3 =	vld [tilespmem:$0xF0];
	_ =	sdelay $0x4  }
0xb7: {  	v63 =	vshll.u32 v3, $0x1  }
0xb8: {  	v3 =	vand.u32 $0x7, v3;
	v4 =	vand.u32 $0xFFFFFFF0, v63  }
0xb9: {  	v3 =	vor.u32 v3, v4  }
0xba: {  	v4 =	vperm.xlane v3, v0;
	_ =	sdelay $0x1  }
0xbb: {  	v3 =	vperm.xlane v3, v2;
	v4 =	vadd.s32 v1, v4;
	_ =	sdelay $0x1  }
0xbc: {  	v3 =	vadd.s32 v1, v3;
	_ =	sdelay $0x2  }
0xbd: {  	[tilespmem:s30], [sflag:$0x1] =	stream.indirect_vreg.gather [hbm4b:s1+s3], $0x80, v4, vm0, $0xb8;
	[tilespmem:$0x10100] =	vst v63  }
0xbe: {  	_ = 	snop  }
0xbf: {  	[tilespmem:s31], [sflag:$0x1] =	stream.indirect_vreg.gather [hbm4b:s1+s3], $0x80, v3, vm0, $0xb8;
	[tilespmem:$0x10100] =	vst v63  }
0xc0: {  	_ =	swait.ge [sflag:s2], $0x10000  }
0xc1: {  	p0 =	sne.s32 s4, $0x1;
	[sflag:s2] =	ssyncset.done $0x0  }
.Ltmp0:
0xc2: {  	s7 =	rddreg [dreg:$0x5];
	[sflag:s2] =	ssyncadd.s32 $0xFFFF0000;
	(pc) =	sbr.rel @p0 .LBB2_1-.Ltmp0, $4  }
0xc3: {  	[hbm4b:s7+s3] =	stream.linear.scatter [tilespmem:s6], [sflag:$0x2], $0x10000, $0x38;
	[tilespmem:$0x10100] =	vst v63  }
0xc4: {  	_ =	swait.ge [sflag:s5], $0x10000  }
0xc5: {  	[sflag:s5] =	ssyncset.done $0x0  }
0xc6: {  	s4 =	sadd.s32 $0xFFFFFFFF, s4;
	[sflag:s5] =	ssyncadd.s32 $0xFFFF0000  }
0xc7: {  	_ =	sfence.sel $0x180000  }
0xc8: {  	[bflag:$0x0] =	sbarrier.arrive $0xFFFF  }
0xc9: {  	_ =	strace $0x90000047  }
0xca: {  	s0 =	stileid.u32;
	[bflag:$0x2] =	sbarrier.arrive $0xFFFF  }
0xcb: {  	p0 =	sne.s32 s0, $0x0;
	s0 =	rddreg [dreg:$0x3]  }
0xcc: {  	s0 =	sadd.s32 @!p0 $0x100000, s0  }
0xcd: {  	[sflag:s0] =	ssyncadd.tile.s32 @!p0 $0x1;
	_ =	shalt  }
.Lfunc_end2:
_tile_overlayer_lowered:
.L_overlay_start_2:
0xce: {  	(tag) =	ssettag $0x2  }
0xcf: {  	s0 =	rddreg [dreg:$0x0];
	s2 =	stileid.u32  }
0xd0: {  	s1 =	rddreg [dreg:$0x1];
	p0 =	sne.s32 s2, $0x0  }
0xd1: {  	s3 =	rddreg [dreg:$0x2];
	[bflag:$0x3] =	sbarrier.arrive $0xFFFF;
	s2 =	simm.s32 @!p0 $0x1C02  }
0xd2: {  	[timem:s3], [sflag:s2] =	dma.local @!p0 [hbm:s0], s1  }
0xd3: {  	s0 =	simm.s32 @!p0 $0x2  }
0xd4: {  	_ =	swait.ge @!p0 [sflag:s0], s1  }
0xd5: {  	s1 =	ssub.s32 @!p0 $0x0, s1;
	[sflag:s0] =	ssyncset.done @!p0 $0x0  }
0xd6: {  	[sflag:s0] =	ssyncadd.s32 @!p0 s1  }
0xd7: {  	[bflag:$0x3] =	sbarrier.arrive $0xFFFF  }
0xd8: {  	_ =	shalt  }

</sc_bundles>
